<compile_context>
chip_gen: v7x
topology: tpu7x:2x2x1
jax: 0.10.2.dev20260603
libtpu: 0.0.44.dev20260713+nightly
codegen_flags: <defaults>
</compile_context>

<pallas_src>
import functools

import jax
import jax.numpy as jnp
from jax import lax
from jax.experimental import pallas as pl
from jax.experimental.pallas import tpu as pltpu
from jax.experimental.pallas import tpu_sc as plsc

N = 10000
E = 320000
D = 128
H = 64
A = 5

NC = 2
NS = 16
NW = NC * NS
ER = E // 128
CH = 80
NH = CH // 2
REM = ER - (NW - 1) * CH
NP = 10240
RPT = NP // NS


def _sc_aggregate(x, ei_r):
    mesh = plsc.VectorSubcoreMesh(core_axis_name="c", subcore_axis_name="s")

    @functools.partial(
        pl.kernel,
        mesh=mesh,
        out_type=[
            jax.ShapeDtypeStruct((NC, NP, D), jnp.float32),
            jax.ShapeDtypeStruct((NC, NP), jnp.float32),
        ],
        scratch_types=[
            pltpu.VMEM((NH, 128), jnp.int32),
            pltpu.VMEM((NH, 128), jnp.int32),
            pltpu.VMEM((2, 128, D), jnp.float32),
            pltpu.VMEM((RPT,), jnp.float32),
            pltpu.VMEM((128,), jnp.float32),
            pltpu.VMEM_SHARED((NP, D), jnp.float32),
            pltpu.VMEM_SHARED((NP,), jnp.float32),
            pltpu.SemaphoreType.DMA,
            pltpu.SemaphoreType.DMA,
            pltpu.SemaphoreType.DMA,
        ],
    )
    def k(x_hbm, ei_hbm, p_hbm, dg_hbm,
          src_v, dst_v, rows_v, zdeg_v, ones_v, agg_sh, deg_sh,
          gsem, ssem, dsem):
        c = lax.axis_index("c")
        s = lax.axis_index("s")
        wid = c * NS + s

        z16 = jnp.zeros((16,), jnp.float32)
        o16 = jnp.ones((16,), jnp.float32)

        def zrow_body(i, _):
            rows_v[0, i // 8, pl.ds((i % 8) * 16, 16)] = z16
            return 0
        lax.fori_loop(0, 128 * 8, zrow_body, 0)

        def zdeg_body(i, _):
            zdeg_v[pl.ds(i * 16, 16)] = z16
            return 0
        lax.fori_loop(0, RPT // 16, zdeg_body, 0)

        def ones_body(i, _):
            ones_v[pl.ds(i * 16, 16)] = o16
            return 0
        lax.fori_loop(0, 8, ones_body, 0)

        base = s * RPT
        for j in range(RPT // 128):
            pltpu.sync_copy(rows_v.at[0], agg_sh.at[pl.ds(base + j * 128, 128)])
        pltpu.sync_copy(zdeg_v, deg_sh.at[pl.ds(base, RPT)])
        plsc.subcore_barrier()

        def run_slab(row0, n):
            def idx_ld(r, _):
                pltpu.async_copy(
                    ei_hbm.at[0, pl.ds((row0 + r) * 128, 128)],
                    src_v.at[r], gsem)
                pltpu.async_copy(
                    ei_hbm.at[1, pl.ds((row0 + r) * 128, 128)],
                    dst_v.at[r], gsem)
                return 0
            lax.fori_loop(0, n, idx_ld, 0)

            def idx_drain(r, _):
                pltpu.make_async_copy(
                    ei_hbm.at[0, pl.ds(row0 * 128, 128)],
                    src_v.at[0], gsem).wait()
                pltpu.make_async_copy(
                    ei_hbm.at[1, pl.ds(row0 * 128, 128)],
                    dst_v.at[0], gsem).wait()
                return 0
            lax.fori_loop(0, n, idx_drain, 0)

            pltpu.async_copy(x_hbm.at[src_v.at[0]], rows_v.at[0], gsem)

            def edge_body(j, _):
                b = lax.rem(j, 2)

                @pl.when(j >= 1)
                def _():
                    pltpu.make_async_copy(
                        rows_v.at[1 - b], agg_sh.at[dst_v.at[0]], ssem).wait()

                @pl.when(j <= n - 2)
                def _():
                    pltpu.async_copy(
                        x_hbm.at[src_v.at[j + 1]], rows_v.at[1 - b], gsem)

                pltpu.make_async_copy(
                    x_hbm.at[src_v.at[j]], rows_v.at[b], gsem).wait()
                pltpu.async_copy(
                    rows_v.at[b], agg_sh.at[dst_v.at[j]], ssem, add=True)
                pltpu.async_copy(
                    ones_v, deg_sh.at[dst_v.at[j]], dsem, add=True)
                return 0
            lax.fori_loop(0, n, edge_body, 0)

            pltpu.make_async_copy(
                rows_v.at[(n - 1) % 2], agg_sh.at[dst_v.at[0]], ssem).wait()

            def ddrain(j, _):
                pltpu.make_async_copy(
                    ones_v, deg_sh.at[dst_v.at[0]], dsem).wait()
                return 0
            lax.fori_loop(0, n, ddrain, 0)

        @pl.when(wid < NW - 1)
        def _():
            for half in range(2):
                run_slab(wid * CH + half * NH, NH)

        @pl.when(wid == NW - 1)
        def _():
            run_slab((NW - 1) * CH, REM)

        plsc.subcore_barrier()

        pltpu.sync_copy(agg_sh.at[pl.ds(base, RPT)],
                        p_hbm.at[c, pl.ds(base, RPT)])
        pltpu.sync_copy(deg_sh.at[pl.ds(base, RPT)],
                        dg_hbm.at[c, pl.ds(base, RPT)])

    return k(x, ei_r)


def _tc_head(p, dgt, w_enc, b_enc, w1p, b1p, w2p, b2p):
    B = 2048
    grid = (N + B - 1) // B

    def dot3(a, w):
        ah = a.astype(jnp.bfloat16)
        al = (a - ah.astype(jnp.float32)).astype(jnp.bfloat16)
        wh = w.astype(jnp.bfloat16)
        wl = (w - wh.astype(jnp.float32)).astype(jnp.bfloat16)
        f32 = jnp.float32
        return (jnp.dot(ah, wh, preferred_element_type=f32)
                + jnp.dot(ah, wl, preferred_element_type=f32)
                + jnp.dot(al, wh, preferred_element_type=f32))

    def body(p_ref, dgt_ref, we_ref, be_ref, w1_ref, b1_ref, w2_ref, b2_ref,
             o_ref):
        degr = dgt_ref[0:1, :] + dgt_ref[1:2, :]
        deg = jnp.transpose(degr, (1, 0))
        agg = (p_ref[0] + p_ref[1]) / jnp.maximum(deg, 1.0)
        h = jnp.maximum(dot3(agg, we_ref[...]) + be_ref[...], 0.0)
        z = jnp.maximum(dot3(h, w1_ref[...]) + b1_ref[...], 0.0)
        o_ref[...] = (dot3(z, w2_ref[...]) + b2_ref[...])[:, :A]

    return pl.pallas_call(
        body,
        grid=(grid,),
        in_specs=[
            pl.BlockSpec((NC, B, D), lambda i: (0, i, 0)),
            pl.BlockSpec((NC, B), lambda i: (0, i)),
            pl.BlockSpec((D, D), lambda i: (0, 0)),
            pl.BlockSpec((1, D), lambda i: (0, 0)),
            pl.BlockSpec((D, H), lambda i: (0, 0)),
            pl.BlockSpec((1, H), lambda i: (0, 0)),
            pl.BlockSpec((H, 8), lambda i: (0, 0)),
            pl.BlockSpec((1, 8), lambda i: (0, 0)),
        ],
        out_specs=pl.BlockSpec((B, A), lambda i: (i, 0)),
        out_shape=jax.ShapeDtypeStruct((N, A), jnp.float32),
    )(p, dgt, w_enc, b_enc, w1p, b1p, w2p, b2p)


def kernel(x, edge_index, W_enc, b_enc, W1, b1, W2, b2):
    p, dg = _sc_aggregate(x, edge_index)

    b1p = b1.reshape(1, H)
    w2p = jnp.pad(W2, ((0, 0), (0, 8 - A)))
    b2p = jnp.pad(b2, (0, 8 - A)).reshape(1, 8)

    return _tc_head(p, dg, W_enc, b_enc.reshape(1, D), W1, b1p, w2p, b2p)

# --- scband reference (transcript-rebuilt; emitter-appended) ---
"""Pipeline reference for scband-node-recommender-49392123904593 (READ-ONLY COPY).

The authoritative reference and input builder live on the scoring server;
editing this copy changes nothing except your own understanding.
"""

import jax, jax.numpy as jnp
import numpy as np

N = 10000
E = 320000
D = 128
H = 64
A = 5

def setup_inputs(seed: int = 0) -> dict:
    key = jax.random.key(seed)
    k1, k2, k3, k4, k5, k6, k7, k8 = jax.random.split(key, 8)
    x = jax.random.normal(k1, (N, D), dtype=jnp.float32)
    edge_index = jax.random.randint(k2, (2, E), 0, N, dtype=jnp.int32)
    # encoder params (GCN-style mean-aggregation encoder, 128 -> 128)
    W_enc = jax.random.normal(k3, (D, D), dtype=jnp.float32) * (1.0 / np.sqrt(D))
    b_enc = jnp.zeros((D,), dtype=jnp.float32)
    # head params: Linear(128,64) -> ReLU -> Dropout(eval=identity) -> Linear(64,5)
    W1 = jax.random.normal(k4, (D, H), dtype=jnp.float32) * (1.0 / np.sqrt(D))
    b1 = jax.random.normal(k5, (H,), dtype=jnp.float32) * 0.01
    W2 = jax.random.normal(k6, (H, A), dtype=jnp.float32) * (1.0 / np.sqrt(H))
    b2 = jax.random.normal(k7, (A,), dtype=jnp.float32) * 0.01
    return {"x": x, "edge_index": edge_index, "W_enc": W_enc, "b_enc": b_enc,
            "W1": W1, "b1": b1, "W2": W2, "b2": b2}

def reference(x, edge_index, W_enc, b_enc, W1, b1, W2, b2):
    src = edge_index[0]
    dst = edge_index[1]
    # message passing: gather source node features, scatter-add to dst, mean-normalize
    msgs = jnp.take(x, src, axis=0)
    agg = jax.ops.segment_sum(msgs, dst, num_segments=N)
    deg = jax.ops.segment_sum(jnp.ones((E,), dtype=x.dtype), dst, num_segments=N)
    agg = agg / jnp.clip(deg, 1.0, None)[:, None]
    h = jax.nn.relu(agg @ W_enc + b_enc)
    # head (dropout is identity in eval mode)
    z = jax.nn.relu(h @ W1 + b1)
    logits = z @ W2 + b2
    return logits

if __name__ == "__main__":
    import jax
    _d = setup_inputs()
    print(jax.jit(kernel)(*tuple(_d.values())))

</pallas_src>

<mosaic_0001>
#map = affine_map<(d0, d1) -> (0, 0)>
#map1 = affine_map<(d0, d1) -> (0, 0, 0)>
module attributes {stable_mosaic.version = 14 : i64} {
  func.func @k(%arg0: i32, %arg1: i32, %arg2: memref<10000x128xf32, #tpu.memory_space<hbm>>, %arg3: memref<2x320000xi32, #tpu.memory_space<hbm>>, %arg4: memref<2x10240x128xf32, #tpu.memory_space<hbm>>, %arg5: memref<2x10240xf32, #tpu.memory_space<hbm>>, %arg6: memref<40x128xi32, #tpu.memory_space<vmem>>, %arg7: memref<40x128xi32, #tpu.memory_space<vmem>>, %arg8: memref<2x128x128xf32, #tpu.memory_space<vmem>>, %arg9: memref<640xf32, #tpu.memory_space<vmem>>, %arg10: memref<128xf32, #tpu.memory_space<vmem>>, %arg11: memref<10240x128xf32, #tpu.memory_space<vmem_shared>>, %arg12: memref<10240xf32, #tpu.memory_space<vmem_shared>>, %arg13: memref<!tpu.dma_semaphore, #tpu.memory_space<semaphore_mem>>, %arg14: memref<!tpu.dma_semaphore, #tpu.memory_space<semaphore_mem>>, %arg15: memref<!tpu.dma_semaphore, #tpu.memory_space<semaphore_mem>>) attributes {dimension_semantics = [#tpu.dimension_semantics<core_parallel>, #tpu.dimension_semantics<subcore_parallel>], iteration_bounds = array<i64: 2, 16>, scalar_prefetch = 0 : i64, scratch_operands = 10 : i64, tpu.core_type = #tpu.core_type<sc_vector_subcore>, window_params = [{transform_indices = #map}, {transform_indices = #map}, {transform_indices = #map1}, {transform_indices = #map}]} {
    %mul3A = arith.constant 16 : i32
    %mul3A_0 = arith.muli %arg0, %mul3A : i32
    %add3A = arith.addi %mul3A_0, %arg1 : i32
    %broadcast_in_dim3A = arith.constant 0.000000e+00 : f32
    %broadcast_in_dim3A_1 = vector.broadcast %broadcast_in_dim3A : f32 to vector<16xf32>
    %broadcast_in_dim3A_2 = arith.constant 1.000000e+00 : f32
    %broadcast_in_dim3A_3 = vector.broadcast %broadcast_in_dim3A_2 : f32 to vector<16xf32>
    %scan3A = arith.constant 0 : i32
    %scan3A_4 = arith.constant 0 : i32
    %scan3A_5 = arith.constant 1024 : i32
    %scan3A_6 = arith.addi %scan3A_4, %scan3A_5 : i32
    %scan3A_7 = arith.constant 1 : i32
    %scan3A_8 = scf.for %scan3A_47 = %scan3A_4 to %scan3A_6 step %scan3A_7 iter_args(%scan3A_48 = %scan3A) -> (i32)  : i32 {
      %jit3A = arith.constant 8 : i32
      %div3A = arith.divsi %scan3A_47, %jit3A : i32
      %sign3A = arith.constant 0 : i32
      %sign3A_49 = arith.cmpi sgt, %scan3A_47, %sign3A : i32
      %sign3A_50 = arith.extui %sign3A_49 : i1 to i32
      %sign3A_51 = arith.constant 0 : i32
      %sign3A_52 = arith.cmpi slt, %scan3A_47, %sign3A_51 : i32
      %sign3A_53 = arith.extui %sign3A_52 : i1 to i32
      %sign3A_54 = arith.subi %sign3A_50, %sign3A_53 : i32
      %sign3A_55 = arith.constant 0 : i32
      %sign3A_56 = arith.cmpi sgt, %jit3A, %sign3A_55 : i32
      %sign3A_57 = arith.extui %sign3A_56 : i1 to i32
      %sign3A_58 = arith.constant 0 : i32
      %sign3A_59 = arith.cmpi slt, %jit3A, %sign3A_58 : i32
      %sign3A_60 = arith.extui %sign3A_59 : i1 to i32
      %sign3A_61 = arith.subi %sign3A_57, %sign3A_60 : i32
      %ne3A = arith.cmpi ne, %sign3A_54, %sign3A_61 : i32
      %rem3A = arith.remsi %scan3A_47, %jit3A : i32
      %ne3A_62 = arith.constant 0 : i32
      %ne3A_63 = arith.cmpi ne, %rem3A, %ne3A_62 : i32
      %and3A = arith.andi %ne3A, %ne3A_63 : i1
      %sub3A = arith.constant 1 : i32
      %sub3A_64 = arith.subi %div3A, %sub3A : i32
      %select_n3A = arith.select %and3A, %sub3A_64, %div3A : i32
      %jit3A_65 = arith.constant 8 : i32
      %eq3A_66 = arith.constant 0 : i32
      %eq3A_67 = arith.cmpi eq, %jit3A_65, %eq3A_66 : i32
      %jit3A_68 = arith.constant 1 : i32
      %select_n3A_69 = arith.select %eq3A_67, %jit3A_68, %jit3A_65 : i32
      %rem3A_70 = arith.remsi %scan3A_47, %select_n3A_69 : i32
      %ne3A_71 = arith.constant 0 : i32
      %ne3A_72 = arith.cmpi ne, %rem3A_70, %ne3A_71 : i32
      %lt3A_73 = arith.constant 0 : i32
      %lt3A_74 = arith.cmpi slt, %rem3A_70, %lt3A_73 : i32
      %lt3A_75 = arith.constant 0 : i32
      %lt3A_76 = arith.cmpi slt, %select_n3A_69, %lt3A_75 : i32
      %ne3A_77 = arith.xori %lt3A_74, %lt3A_76 : i1
      %and3A_78 = arith.andi %ne3A_77, %ne3A_72 : i1
      %add3A_79 = arith.addi %rem3A_70, %select_n3A_69 : i32
      %select_n3A_80 = arith.select %and3A_78, %add3A_79, %rem3A_70 : i32
      %mul3A_81 = arith.constant 16 : i32
      %mul3A_82 = arith.muli %select_n3A_80, %mul3A_81 : i32
      %swap3A = arith.constant 0 : i32
      %swap3A_83 = arith.index_cast %swap3A : i32 to index
      %swap3A_84 = arith.index_cast %select_n3A : i32 to index
      %swap3A_85 = arith.index_cast %mul3A_82 : i32 to index
      %swap3A_86 = tpu.vector_load %arg8[%swap3A_83, %swap3A_84, %swap3A_85] {strides = array<i32>} : memref<2x128x128xf32, #tpu.memory_space<vmem>>, vector<1x1x16xf32>,
      %swap3A_87 = vector.shape_cast %swap3A_86 : vector<1x1x16xf32> to vector<16xf32>
      %swap3A_88 = vector.shape_cast %broadcast_in_dim3A_1 : vector<16xf32> to vector<1x1x16xf32>
      tpu.vector_store %arg8[%swap3A_83, %swap3A_84, %swap3A_85], %swap3A_88 {strides = array<i32>} : memref<2x128x128xf32, #tpu.memory_space<vmem>>, vector<1x1x16xf32>,
      %scan3A_89 = arith.constant 0 : i32
      scf.yield %scan3A_89 : i32
    }
    %scan3A_9 = arith.constant 1024 : i32
    %scan3A_10 = arith.constant 0 : i32
    %scan3A_11 = arith.constant 0 : i32
    %scan3A_12 = arith.constant 40 : i32
    %scan3A_13 = arith.addi %scan3A_11, %scan3A_12 : i32
    %scan3A_14 = arith.constant 1 : i32
    %scan3A_15 = scf.for %scan3A_47 = %scan3A_11 to %scan3A_13 step %scan3A_14 iter_args(%scan3A_48 = %scan3A_10) -> (i32)  : i32 {
      %mul3A_49 = arith.constant 16 : i32
      %mul3A_50 = arith.muli %scan3A_47, %mul3A_49 : i32
      %swap3A = arith.index_cast %mul3A_50 : i32 to index
      %swap3A_51 = tpu.vector_load %arg9[%swap3A] {strides = array<i32>} : memref<640xf32, #tpu.memory_space<vmem>>, vector<16xf32>,
      %swap3A_52 = vector.shape_cast %swap3A_51 : vector<16xf32> to vector<16xf32>
      %swap3A_53 = vector.shape_cast %broadcast_in_dim3A_1 : vector<16xf32> to vector<16xf32>
      tpu.vector_store %arg9[%swap3A], %swap3A_53 {strides = array<i32>} : memref<640xf32, #tpu.memory_space<vmem>>, vector<16xf32>,
      %scan3A_54 = arith.constant 0 : i32
      scf.yield %scan3A_54 : i32
    }
    %scan3A_16 = arith.constant 40 : i32
    %scan3A_17 = arith.constant 0 : i32
    %scan3A_18 = arith.constant 0 : i32
    %scan3A_19 = arith.constant 8 : i32
    %scan3A_20 = arith.addi %scan3A_18, %scan3A_19 : i32
    %scan3A_21 = arith.constant 1 : i32
    %scan3A_22 = scf.for %scan3A_47 = %scan3A_18 to %scan3A_20 step %scan3A_21 iter_args(%scan3A_48 = %scan3A_17) -> (i32)  : i32 {
      %mul3A_49 = arith.constant 16 : i32
      %mul3A_50 = arith.muli %scan3A_47, %mul3A_49 : i32
      %swap3A = arith.index_cast %mul3A_50 : i32 to index
      %swap3A_51 = tpu.vector_load %arg10[%swap3A] {strides = array<i32>} : memref<128xf32, #tpu.memory_space<vmem>>, vector<16xf32>,
      %swap3A_52 = vector.shape_cast %swap3A_51 : vector<16xf32> to vector<16xf32>
      %swap3A_53 = vector.shape_cast %broadcast_in_dim3A_3 : vector<16xf32> to vector<16xf32>
      tpu.vector_store %arg10[%swap3A], %swap3A_53 {strides = array<i32>} : memref<128xf32, #tpu.memory_space<vmem>>, vector<16xf32>,
      %scan3A_54 = arith.constant 0 : i32
      scf.yield %scan3A_54 : i32
    }
    %scan3A_23 = arith.constant 8 : i32
    %mul3A_24 = arith.constant 640 : i32
    %mul3A_25 = arith.muli %arg1, %mul3A_24 : i32
    %add3A_26 = arith.constant 0 : i32
    %add3A_27 = arith.addi %mul3A_25, %add3A_26 : i32
    %run_scoped3A = arith.constant 0 : i32
    "tpu.region"() ({
      %run_scoped3A_47 = tpu.sem_alloc : memref<!tpu.dma_semaphore, #tpu.memory_space<semaphore_mem>>
      %dma_start3A = arith.constant 0 : i32
      %dma_start3A_48 = arith.constant 0 : i32
      %dma_start3A_49 = tpu.memref_slice %arg8[%run_scoped3A, %dma_start3A, %dma_start3A_48] : memref<2x128x128xf32, #tpu.memory_space<vmem>> -> memref<1x128x128xf32, #tpu.memory_space<vmem>>
      %dma_start3A_50 = tpu.memref_squeeze %dma_start3A_49 : memref<1x128x128xf32, #tpu.memory_space<vmem>> -> memref<128x128xf32, #tpu.memory_space<vmem>>
      %dma_start3A_51 = arith.constant 0 : i32
      %dma_start3A_52 = tpu.memref_slice %arg11[%add3A_27, %dma_start3A_51] : memref<10240x128xf32, #tpu.memory_space<vmem_shared>> -> memref<128x128xf32, #tpu.memory_space<vmem_shared>>
      %dma_start3A_53 = arith.constant 0 : i32
      %dma_start3A_54 = tpu.memref_slice %arg11[%add3A_27, %dma_start3A_53] : memref<10240x128xf32, #tpu.memory_space<vmem_shared>> -> memref<128x128xf32, #tpu.memory_space<vmem_shared>>
      %dma_start3A_55 = arith.constant 0 : i32
      %dma_start3A_56 = arith.constant 0 : i32
      %dma_start3A_57 = tpu.memref_slice %arg8[%run_scoped3A, %dma_start3A_55, %dma_start3A_56] : memref<2x128x128xf32, #tpu.memory_space<vmem>> -> memref<1x128x128xf32, #tpu.memory_space<vmem>>
      %dma_start3A_58 = tpu.memref_squeeze %dma_start3A_57 : memref<1x128x128xf32, #tpu.memory_space<vmem>> -> memref<128x128xf32, #tpu.memory_space<vmem>>
      tpu.enqueue_dma source(%dma_start3A_58 : memref<128x128xf32, #tpu.memory_space<vmem>>) target(%dma_start3A_54 : memref<128x128xf32, #tpu.memory_space<vmem_shared>>) target_semaphore(%run_scoped3A_47 : memref<!tpu.dma_semaphore, #tpu.memory_space<semaphore_mem>>)
      %dma_wait3A = arith.constant 0 : i32
      %dma_wait3A_59 = arith.constant 0 : i32
      %dma_wait3A_60 = tpu.memref_slice %arg8[%run_scoped3A, %dma_wait3A, %dma_wait3A_59] : memref<2x128x128xf32, #tpu.memory_space<vmem>> -> memref<1x128x128xf32, #tpu.memory_space<vmem>>
      %dma_wait3A_61 = tpu.memref_squeeze %dma_wait3A_60 : memref<1x128x128xf32, #tpu.memory_space<vmem>> -> memref<128x128xf32, #tpu.memory_space<vmem>>
      %dma_wait3A_62 = arith.constant 0 : i32
      %dma_wait3A_63 = tpu.memref_slice %arg11[%add3A_27, %dma_wait3A_62] : memref<10240x128xf32, #tpu.memory_space<vmem_shared>> -> memref<128x128xf32, #tpu.memory_space<vmem_shared>>
      %dma_wait3A_64 = arith.constant 0 : i32
      %dma_wait3A_65 = tpu.memref_slice %arg11[%add3A_27, %dma_wait3A_64] : memref<10240x128xf32, #tpu.memory_space<vmem_shared>> -> memref<128x128xf32, #tpu.memory_space<vmem_shared>>
      %dma_wait3A_66 = arith.constant 0 : i32
      %dma_wait3A_67 = arith.constant 0 : i32
      %dma_wait3A_68 = tpu.memref_slice %arg8[%run_scoped3A, %dma_wait3A_66, %dma_wait3A_67] : memref<2x128x128xf32, #tpu.memory_space<vmem>> -> memref<1x128x128xf32, #tpu.memory_space<vmem>>
      %dma_wait3A_69 = tpu.memref_squeeze %dma_wait3A_68 : memref<1x128x128xf32, #tpu.memory_space<vmem>> -> memref<128x128xf32, #tpu.memory_space<vmem>>
      tpu.wait_dma2 semaphore(%run_scoped3A_47 : memref<!tpu.dma_semaphore, #tpu.memory_space<semaphore_mem>>) src(%dma_wait3A_69 : memref<128x128xf32, #tpu.memory_space<vmem>>) dst(%dma_wait3A_65 : memref<128x128xf32, #tpu.memory_space<vmem_shared>>)
      tpu.yield
    }) : () -> ()
    %add3A_28 = arith.constant 128 : i32
    %add3A_29 = arith.addi %mul3A_25, %add3A_28 : i32
    %run_scoped3A_30 = arith.constant 0 : i32
    "tpu.region"() ({
      %run_scoped3A_47 = tpu.sem_alloc : memref<!tpu.dma_semaphore, #tpu.memory_space<semaphore_mem>>
      %dma_start3A = arith.constant 0 : i32
      %dma_start3A_48 = arith.constant 0 : i32
      %dma_start3A_49 = tpu.memref_slice %arg8[%run_scoped3A_30, %dma_start3A, %dma_start3A_48] : memref<2x128x128xf32, #tpu.memory_space<vmem>> -> memref<1x128x128xf32, #tpu.memory_space<vmem>>
      %dma_start3A_50 = tpu.memref_squeeze %dma_start3A_49 : memref<1x128x128xf32, #tpu.memory_space<vmem>> -> memref<128x128xf32, #tpu.memory_space<vmem>>
      %dma_start3A_51 = arith.constant 0 : i32
      %dma_start3A_52 = tpu.memref_slice %arg11[%add3A_29, %dma_start3A_51] : memref<10240x128xf32, #tpu.memory_space<vmem_shared>> -> memref<128x128xf32, #tpu.memory_space<vmem_shared>>
      %dma_start3A_53 = arith.constant 0 : i32
      %dma_start3A_54 = tpu.memref_slice %arg11[%add3A_29, %dma_start3A_53] : memref<10240x128xf32, #tpu.memory_space<vmem_shared>> -> memref<128x128xf32, #tpu.memory_space<vmem_shared>>
      %dma_start3A_55 = arith.constant 0 : i32
      %dma_start3A_56 = arith.constant 0 : i32
      %dma_start3A_57 = tpu.memref_slice %arg8[%run_scoped3A_30, %dma_start3A_55, %dma_start3A_56] : memref<2x128x128xf32, #tpu.memory_space<vmem>> -> memref<1x128x128xf32, #tpu.memory_space<vmem>>
      %dma_start3A_58 = tpu.memref_squeeze %dma_start3A_57 : memref<1x128x128xf32, #tpu.memory_space<vmem>> -> memref<128x128xf32, #tpu.memory_space<vmem>>
      tpu.enqueue_dma source(%dma_start3A_58 : memref<128x128xf32, #tpu.memory_space<vmem>>) target(%dma_start3A_54 : memref<128x128xf32, #tpu.memory_space<vmem_shared>>) target_semaphore(%run_scoped3A_47 : memref<!tpu.dma_semaphore, #tpu.memory_space<semaphore_mem>>)
      %dma_wait3A = arith.constant 0 : i32
      %dma_wait3A_59 = arith.constant 0 : i32
      %dma_wait3A_60 = tpu.memref_slice %arg8[%run_scoped3A_30, %dma_wait3A, %dma_wait3A_59] : memref<2x128x128xf32, #tpu.memory_space<vmem>> -> memref<1x128x128xf32, #tpu.memory_space<vmem>>
      %dma_wait3A_61 = tpu.memref_squeeze %dma_wait3A_60 : memref<1x128x128xf32, #tpu.memory_space<vmem>> -> memref<128x128xf32, #tpu.memory_space<vmem>>
      %dma_wait3A_62 = arith.constant 0 : i32
      %dma_wait3A_63 = tpu.memref_slice %arg11[%add3A_29, %dma_wait3A_62] : memref<10240x128xf32, #tpu.memory_space<vmem_shared>> -> memref<128x128xf32, #tpu.memory_space<vmem_shared>>
      %dma_wait3A_64 = arith.constant 0 : i32
      %dma_wait3A_65 = tpu.memref_slice %arg11[%add3A_29, %dma_wait3A_64] : memref<10240x128xf32, #tpu.memory_space<vmem_shared>> -> memref<128x128xf32, #tpu.memory_space<vmem_shared>>
      %dma_wait3A_66 = arith.constant 0 : i32
      %dma_wait3A_67 = arith.constant 0 : i32
      %dma_wait3A_68 = tpu.memref_slice %arg8[%run_scoped3A_30, %dma_wait3A_66, %dma_wait3A_67] : memref<2x128x128xf32, #tpu.memory_space<vmem>> -> memref<1x128x128xf32, #tpu.memory_space<vmem>>
      %dma_wait3A_69 = tpu.memref_squeeze %dma_wait3A_68 : memref<1x128x128xf32, #tpu.memory_space<vmem>> -> memref<128x128xf32, #tpu.memory_space<vmem>>
      tpu.wait_dma2 semaphore(%run_scoped3A_47 : memref<!tpu.dma_semaphore, #tpu.memory_space<semaphore_mem>>) src(%dma_wait3A_69 : memref<128x128xf32, #tpu.memory_space<vmem>>) dst(%dma_wait3A_65 : memref<128x128xf32, #tpu.memory_space<vmem_shared>>)
      tpu.yield
    }) : () -> ()
    %add3A_31 = arith.constant 256 : i32
    %add3A_32 = arith.addi %mul3A_25, %add3A_31 : i32
    %run_scoped3A_33 = arith.constant 0 : i32
    "tpu.region"() ({
      %run_scoped3A_47 = tpu.sem_alloc : memref<!tpu.dma_semaphore, #tpu.memory_space<semaphore_mem>>
      %dma_start3A = arith.constant 0 : i32
      %dma_start3A_48 = arith.constant 0 : i32
      %dma_start3A_49 = tpu.memref_slice %arg8[%run_scoped3A_33, %dma_start3A, %dma_start3A_48] : memref<2x128x128xf32, #tpu.memory_space<vmem>> -> memref<1x128x128xf32, #tpu.memory_space<vmem>>
      %dma_start3A_50 = tpu.memref_squeeze %dma_start3A_49 : memref<1x128x128xf32, #tpu.memory_space<vmem>> -> memref<128x128xf32, #tpu.memory_space<vmem>>
      %dma_start3A_51 = arith.constant 0 : i32
      %dma_start3A_52 = tpu.memref_slice %arg11[%add3A_32, %dma_start3A_51] : memref<10240x128xf32, #tpu.memory_space<vmem_shared>> -> memref<128x128xf32, #tpu.memory_space<vmem_shared>>
      %dma_start3A_53 = arith.constant 0 : i32
      %dma_start3A_54 = tpu.memref_slice %arg11[%add3A_32, %dma_start3A_53] : memref<10240x128xf32, #tpu.memory_space<vmem_shared>> -> memref<128x128xf32, #tpu.memory_space<vmem_shared>>
      %dma_start3A_55 = arith.constant 0 : i32
      %dma_start3A_56 = arith.constant 0 : i32
      %dma_start3A_57 = tpu.memref_slice %arg8[%run_scoped3A_33, %dma_start3A_55, %dma_start3A_56] : memref<2x128x128xf32, #tpu.memory_space<vmem>> -> memref<1x128x128xf32, #tpu.memory_space<vmem>>
      %dma_start3A_58 = tpu.memref_squeeze %dma_start3A_57 : memref<1x128x128xf32, #tpu.memory_space<vmem>> -> memref<128x128xf32, #tpu.memory_space<vmem>>
      tpu.enqueue_dma source(%dma_start3A_58 : memref<128x128xf32, #tpu.memory_space<vmem>>) target(%dma_start3A_54 : memref<128x128xf32, #tpu.memory_space<vmem_shared>>) target_semaphore(%run_scoped3A_47 : memref<!tpu.dma_semaphore, #tpu.memory_space<semaphore_mem>>)
      %dma_wait3A = arith.constant 0 : i32
      %dma_wait3A_59 = arith.constant 0 : i32
      %dma_wait3A_60 = tpu.memref_slice %arg8[%run_scoped3A_33, %dma_wait3A, %dma_wait3A_59] : memref<2x128x128xf32, #tpu.memory_space<vmem>> -> memref<1x128x128xf32, #tpu.memory_space<vmem>>
      %dma_wait3A_61 = tpu.memref_squeeze %dma_wait3A_60 : memref<1x128x128xf32, #tpu.memory_space<vmem>> -> memref<128x128xf32, #tpu.memory_space<vmem>>
      %dma_wait3A_62 = arith.constant 0 : i32
      %dma_wait3A_63 = tpu.memref_slice %arg11[%add3A_32, %dma_wait3A_62] : memref<10240x128xf32, #tpu.memory_space<vmem_shared>> -> memref<128x128xf32, #tpu.memory_space<vmem_shared>>
      %dma_wait3A_64 = arith.constant 0 : i32
      %dma_wait3A_65 = tpu.memref_slice %arg11[%add3A_32, %dma_wait3A_64] : memref<10240x128xf32, #tpu.memory_space<vmem_shared>> -> memref<128x128xf32, #tpu.memory_space<vmem_shared>>
      %dma_wait3A_66 = arith.constant 0 : i32
      %dma_wait3A_67 = arith.constant 0 : i32
      %dma_wait3A_68 = tpu.memref_slice %arg8[%run_scoped3A_33, %dma_wait3A_66, %dma_wait3A_67] : memref<2x128x128xf32, #tpu.memory_space<vmem>> -> memref<1x128x128xf32, #tpu.memory_space<vmem>>
      %dma_wait3A_69 = tpu.memref_squeeze %dma_wait3A_68 : memref<1x128x128xf32, #tpu.memory_space<vmem>> -> memref<128x128xf32, #tpu.memory_space<vmem>>
      tpu.wait_dma2 semaphore(%run_scoped3A_47 : memref<!tpu.dma_semaphore, #tpu.memory_space<semaphore_mem>>) src(%dma_wait3A_69 : memref<128x128xf32, #tpu.memory_space<vmem>>) dst(%dma_wait3A_65 : memref<128x128xf32, #tpu.memory_space<vmem_shared>>)
      tpu.yield
    }) : () -> ()
    %add3A_34 = arith.constant 384 : i32
    %add3A_35 = arith.addi %mul3A_25, %add3A_34 : i32
    %run_scoped3A_36 = arith.constant 0 : i32
    "tpu.region"() ({
      %run_scoped3A_47 = tpu.sem_alloc : memref<!tpu.dma_semaphore, #tpu.memory_space<semaphore_mem>>
      %dma_start3A = arith.constant 0 : i32
      %dma_start3A_48 = arith.constant 0 : i32
      %dma_start3A_49 = tpu.memref_slice %arg8[%run_scoped3A_36, %dma_start3A, %dma_start3A_48] : memref<2x128x128xf32, #tpu.memory_space<vmem>> -> memref<1x128x128xf32, #tpu.memory_space<vmem>>
      %dma_start3A_50 = tpu.memref_squeeze %dma_start3A_49 : memref<1x128x128xf32, #tpu.memory_space<vmem>> -> memref<128x128xf32, #tpu.memory_space<vmem>>
      %dma_start3A_51 = arith.constant 0 : i32
      %dma_start3A_52 = tpu.memref_slice %arg11[%add3A_35, %dma_start3A_51] : memref<10240x128xf32, #tpu.memory_space<vmem_shared>> -> memref<128x128xf32, #tpu.memory_space<vmem_shared>>
      %dma_start3A_53 = arith.constant 0 : i32
      %dma_start3A_54 = tpu.memref_slice %arg11[%add3A_35, %dma_start3A_53] : memref<10240x128xf32, #tpu.memory_space<vmem_shared>> -> memref<128x128xf32, #tpu.memory_space<vmem_shared>>
      %dma_start3A_55 = arith.constant 0 : i32
      %dma_start3A_56 = arith.constant 0 : i32
      %dma_start3A_57 = tpu.memref_slice %arg8[%run_scoped3A_36, %dma_start3A_55, %dma_start3A_56] : memref<2x128x128xf32, #tpu.memory_space<vmem>> -> memref<1x128x128xf32, #tpu.memory_space<vmem>>
      %dma_start3A_58 = tpu.memref_squeeze %dma_start3A_57 : memref<1x128x128xf32, #tpu.memory_space<vmem>> -> memref<128x128xf32, #tpu.memory_space<vmem>>
      tpu.enqueue_dma source(%dma_start3A_58 : memref<128x128xf32, #tpu.memory_space<vmem>>) target(%dma_start3A_54 : memref<128x128xf32, #tpu.memory_space<vmem_shared>>) target_semaphore(%run_scoped3A_47 : memref<!tpu.dma_semaphore, #tpu.memory_space<semaphore_mem>>)
      %dma_wait3A = arith.constant 0 : i32
      %dma_wait3A_59 = arith.constant 0 : i32
      %dma_wait3A_60 = tpu.memref_slice %arg8[%run_scoped3A_36, %dma_wait3A, %dma_wait3A_59] : memref<2x128x128xf32, #tpu.memory_space<vmem>> -> memref<1x128x128xf32, #tpu.memory_space<vmem>>
      %dma_wait3A_61 = tpu.memref_squeeze %dma_wait3A_60 : memref<1x128x128xf32, #tpu.memory_space<vmem>> -> memref<128x128xf32, #tpu.memory_space<vmem>>
      %dma_wait3A_62 = arith.constant 0 : i32
      %dma_wait3A_63 = tpu.memref_slice %arg11[%add3A_35, %dma_wait3A_62] : memref<10240x128xf32, #tpu.memory_space<vmem_shared>> -> memref<128x128xf32, #tpu.memory_space<vmem_shared>>
      %dma_wait3A_64 = arith.constant 0 : i32
      %dma_wait3A_65 = tpu.memref_slice %arg11[%add3A_35, %dma_wait3A_64] : memref<10240x128xf32, #tpu.memory_space<vmem_shared>> -> memref<128x128xf32, #tpu.memory_space<vmem_shared>>
      %dma_wait3A_66 = arith.constant 0 : i32
      %dma_wait3A_67 = arith.constant 0 : i32
      %dma_wait3A_68 = tpu.memref_slice %arg8[%run_scoped3A_36, %dma_wait3A_66, %dma_wait3A_67] : memref<2x128x128xf32, #tpu.memory_space<vmem>> -> memref<1x128x128xf32, #tpu.memory_space<vmem>>
      %dma_wait3A_69 = tpu.memref_squeeze %dma_wait3A_68 : memref<1x128x128xf32, #tpu.memory_space<vmem>> -> memref<128x128xf32, #tpu.memory_space<vmem>>
      tpu.wait_dma2 semaphore(%run_scoped3A_47 : memref<!tpu.dma_semaphore, #tpu.memory_space<semaphore_mem>>) src(%dma_wait3A_69 : memref<128x128xf32, #tpu.memory_space<vmem>>) dst(%dma_wait3A_65 : memref<128x128xf32, #tpu.memory_space<vmem_shared>>)
      tpu.yield
    }) : () -> ()
    %add3A_37 = arith.constant 512 : i32
    %add3A_38 = arith.addi %mul3A_25, %add3A_37 : i32
    %run_scoped3A_39 = arith.constant 0 : i32
    "tpu.region"() ({
      %run_scoped3A_47 = tpu.sem_alloc : memref<!tpu.dma_semaphore, #tpu.memory_space<semaphore_mem>>
      %dma_start3A = arith.constant 0 : i32
      %dma_start3A_48 = arith.constant 0 : i32
      %dma_start3A_49 = tpu.memref_slice %arg8[%run_scoped3A_39, %dma_start3A, %dma_start3A_48] : memref<2x128x128xf32, #tpu.memory_space<vmem>> -> memref<1x128x128xf32, #tpu.memory_space<vmem>>
      %dma_start3A_50 = tpu.memref_squeeze %dma_start3A_49 : memref<1x128x128xf32, #tpu.memory_space<vmem>> -> memref<128x128xf32, #tpu.memory_space<vmem>>
      %dma_start3A_51 = arith.constant 0 : i32
      %dma_start3A_52 = tpu.memref_slice %arg11[%add3A_38, %dma_start3A_51] : memref<10240x128xf32, #tpu.memory_space<vmem_shared>> -> memref<128x128xf32, #tpu.memory_space<vmem_shared>>
      %dma_start3A_53 = arith.constant 0 : i32
      %dma_start3A_54 = tpu.memref_slice %arg11[%add3A_38, %dma_start3A_53] : memref<10240x128xf32, #tpu.memory_space<vmem_shared>> -> memref<128x128xf32, #tpu.memory_space<vmem_shared>>
      %dma_start3A_55 = arith.constant 0 : i32
      %dma_start3A_56 = arith.constant 0 : i32
      %dma_start3A_57 = tpu.memref_slice %arg8[%run_scoped3A_39, %dma_start3A_55, %dma_start3A_56] : memref<2x128x128xf32, #tpu.memory_space<vmem>> -> memref<1x128x128xf32, #tpu.memory_space<vmem>>
      %dma_start3A_58 = tpu.memref_squeeze %dma_start3A_57 : memref<1x128x128xf32, #tpu.memory_space<vmem>> -> memref<128x128xf32, #tpu.memory_space<vmem>>
      tpu.enqueue_dma source(%dma_start3A_58 : memref<128x128xf32, #tpu.memory_space<vmem>>) target(%dma_start3A_54 : memref<128x128xf32, #tpu.memory_space<vmem_shared>>) target_semaphore(%run_scoped3A_47 : memref<!tpu.dma_semaphore, #tpu.memory_space<semaphore_mem>>)
      %dma_wait3A = arith.constant 0 : i32
      %dma_wait3A_59 = arith.constant 0 : i32
      %dma_wait3A_60 = tpu.memref_slice %arg8[%run_scoped3A_39, %dma_wait3A, %dma_wait3A_59] : memref<2x128x128xf32, #tpu.memory_space<vmem>> -> memref<1x128x128xf32, #tpu.memory_space<vmem>>
      %dma_wait3A_61 = tpu.memref_squeeze %dma_wait3A_60 : memref<1x128x128xf32, #tpu.memory_space<vmem>> -> memref<128x128xf32, #tpu.memory_space<vmem>>
      %dma_wait3A_62 = arith.constant 0 : i32
      %dma_wait3A_63 = tpu.memref_slice %arg11[%add3A_38, %dma_wait3A_62] : memref<10240x128xf32, #tpu.memory_space<vmem_shared>> -> memref<128x128xf32, #tpu.memory_space<vmem_shared>>
      %dma_wait3A_64 = arith.constant 0 : i32
      %dma_wait3A_65 = tpu.memref_slice %arg11[%add3A_38, %dma_wait3A_64] : memref<10240x128xf32, #tpu.memory_space<vmem_shared>> -> memref<128x128xf32, #tpu.memory_space<vmem_shared>>
      %dma_wait3A_66 = arith.constant 0 : i32
      %dma_wait3A_67 = arith.constant 0 : i32
      %dma_wait3A_68 = tpu.memref_slice %arg8[%run_scoped3A_39, %dma_wait3A_66, %dma_wait3A_67] : memref<2x128x128xf32, #tpu.memory_space<vmem>> -> memref<1x128x128xf32, #tpu.memory_space<vmem>>
      %dma_wait3A_69 = tpu.memref_squeeze %dma_wait3A_68 : memref<1x128x128xf32, #tpu.memory_space<vmem>> -> memref<128x128xf32, #tpu.memory_space<vmem>>
      tpu.wait_dma2 semaphore(%run_scoped3A_47 : memref<!tpu.dma_semaphore, #tpu.memory_space<semaphore_mem>>) src(%dma_wait3A_69 : memref<128x128xf32, #tpu.memory_space<vmem>>) dst(%dma_wait3A_65 : memref<128x128xf32, #tpu.memory_space<vmem_shared>>)
      tpu.yield
    }) : () -> ()
    "tpu.region"() ({
      %run_scoped3A_47 = tpu.sem_alloc : memref<!tpu.dma_semaphore, #tpu.memory_space<semaphore_mem>>
      %dma_start3A = tpu.memref_slice %arg12[%mul3A_25] : memref<10240xf32, #tpu.memory_space<vmem_shared>> -> memref<640xf32, #tpu.memory_space<vmem_shared>>
      %dma_start3A_48 = tpu.memref_slice %arg12[%mul3A_25] : memref<10240xf32, #tpu.memory_space<vmem_shared>> -> memref<640xf32, #tpu.memory_space<vmem_shared>>
      tpu.enqueue_dma source(%arg9 : memref<640xf32, #tpu.memory_space<vmem>>) target(%dma_start3A_48 : memref<640xf32, #tpu.memory_space<vmem_shared>>) target_semaphore(%run_scoped3A_47 : memref<!tpu.dma_semaphore, #tpu.memory_space<semaphore_mem>>)
      %dma_wait3A = tpu.memref_slice %arg12[%mul3A_25] : memref<10240xf32, #tpu.memory_space<vmem_shared>> -> memref<640xf32, #tpu.memory_space<vmem_shared>>
      %dma_wait3A_49 = tpu.memref_slice %arg12[%mul3A_25] : memref<10240xf32, #tpu.memory_space<vmem_shared>> -> memref<640xf32, #tpu.memory_space<vmem_shared>>
      tpu.wait_dma2 semaphore(%run_scoped3A_47 : memref<!tpu.dma_semaphore, #tpu.memory_space<semaphore_mem>>) src(%arg9 : memref<640xf32, #tpu.memory_space<vmem>>) dst(%dma_wait3A_49 : memref<640xf32, #tpu.memory_space<vmem_shared>>)
      tpu.yield
    }) : () -> ()
    %barrier3A = arith.constant 0 : index
    tpu.barrier barrier_id(%barrier3A)
    %lt3A = arith.constant 31 : i32
    %lt3A_40 = arith.cmpi slt, %add3A, %lt3A : i32
    %convert_element_type3A = arith.extui %lt3A_40 : i1 to i32
    %cond3A = arith.constant 0 : i32
    %cond3A_41 = arith.cmpi ne, %convert_element_type3A, %cond3A : i32
    scf.if %cond3A_41 {
      %mul3A_47 = arith.constant 80 : i32
      %mul3A_48 = arith.muli %add3A, %mul3A_47 : i32
      %add3A_49 = arith.constant 0 : i32
      %add3A_50 = arith.addi %mul3A_48, %add3A_49 : i32
      %scan3A_51 = arith.constant 0 : i32
      %scan3A_52 = arith.constant 0 : i32
      %scan3A_53 = arith.constant 40 : i32
      %scan3A_54 = arith.addi %scan3A_52, %scan3A_53 : i32
      %scan3A_55 = arith.constant 1 : i32
      %scan3A_56 = scf.for %scan3A_157 = %scan3A_52 to %scan3A_54 step %scan3A_55 iter_args(%scan3A_158 = %scan3A_51) -> (i32)  : i32 {
        %add3A_159 = arith.addi %add3A_50, %scan3A_157 : i32
        %mul3A_160 = arith.constant 128 : i32
        %mul3A_161 = arith.muli %add3A_159, %mul3A_160 : i32
        %dma_start3A_162 = arith.constant 0 : i32
        %dma_start3A_163 = arith.constant 0 : i32
        %dma_start3A_164 = tpu.memref_slice %arg6[%scan3A_157, %dma_start3A_163] : memref<40x128xi32, #tpu.memory_space<vmem>> -> memref<1x128xi32, #tpu.memory_space<vmem>>
        %dma_start3A_165 = tpu.memref_squeeze %dma_start3A_164 : memref<1x128xi32, #tpu.memory_space<vmem>> -> memref<128xi32, #tpu.memory_space<vmem>>
        %dma_start3A_166 = tpu.memref_slice %arg3[%dma_start3A_162, %mul3A_161] : memref<2x320000xi32, #tpu.memory_space<hbm>> -> memref<1x128xi32, #tpu.memory_space<hbm>>
        %dma_start3A_167 = tpu.memref_squeeze %dma_start3A_166 : memref<1x128xi32, #tpu.memory_space<hbm>> -> memref<128xi32, #tpu.memory_space<hbm>>
        %dma_start3A_168 = arith.constant 0 : i32
        %dma_start3A_169 = tpu.memref_slice %arg6[%scan3A_157, %dma_start3A_168] : memref<40x128xi32, #tpu.memory_space<vmem>> -> memref<1x128xi32, #tpu.memory_space<vmem>>
        %dma_start3A_170 = tpu.memref_squeeze %dma_start3A_169 : memref<1x128xi32, #tpu.memory_space<vmem>> -> memref<128xi32, #tpu.memory_space<vmem>>
        %dma_start3A_171 = tpu.memref_slice %arg3[%dma_start3A_162, %mul3A_161] : memref<2x320000xi32, #tpu.memory_space<hbm>> -> memref<1x128xi32, #tpu.memory_space<hbm>>
        %dma_start3A_172 = tpu.memref_squeeze %dma_start3A_171 : memref<1x128xi32, #tpu.memory_space<hbm>> -> memref<128xi32, #tpu.memory_space<hbm>>
        tpu.enqueue_dma source(%dma_start3A_172 : memref<128xi32, #tpu.memory_space<hbm>>) target(%dma_start3A_170 : memref<128xi32, #tpu.memory_space<vmem>>) target_semaphore(%arg13 : memref<!tpu.dma_semaphore, #tpu.memory_space<semaphore_mem>>)
        %add3A_173 = arith.addi %add3A_50, %scan3A_157 : i32
        %mul3A_174 = arith.constant 128 : i32
        %mul3A_175 = arith.muli %add3A_173, %mul3A_174 : i32
        %dma_start3A_176 = arith.constant 1 : i32
        %dma_start3A_177 = arith.constant 0 : i32
        %dma_start3A_178 = tpu.memref_slice %arg7[%scan3A_157, %dma_start3A_177] : memref<40x128xi32, #tpu.memory_space<vmem>> -> memref<1x128xi32, #tpu.memory_space<vmem>>
        %dma_start3A_179 = tpu.memref_squeeze %dma_start3A_178 : memref<1x128xi32, #tpu.memory_space<vmem>> -> memref<128xi32, #tpu.memory_space<vmem>>
        %dma_start3A_180 = tpu.memref_slice %arg3[%dma_start3A_176, %mul3A_175] : memref<2x320000xi32, #tpu.memory_space<hbm>> -> memref<1x128xi32, #tpu.memory_space<hbm>>
        %dma_start3A_181 = tpu.memref_squeeze %dma_start3A_180 : memref<1x128xi32, #tpu.memory_space<hbm>> -> memref<128xi32, #tpu.memory_space<hbm>>
        %dma_start3A_182 = arith.constant 0 : i32
        %dma_start3A_183 = tpu.memref_slice %arg7[%scan3A_157, %dma_start3A_182] : memref<40x128xi32, #tpu.memory_space<vmem>> -> memref<1x128xi32, #tpu.memory_space<vmem>>
        %dma_start3A_184 = tpu.memref_squeeze %dma_start3A_183 : memref<1x128xi32, #tpu.memory_space<vmem>> -> memref<128xi32, #tpu.memory_space<vmem>>
        %dma_start3A_185 = tpu.memref_slice %arg3[%dma_start3A_176, %mul3A_175] : memref<2x320000xi32, #tpu.memory_space<hbm>> -> memref<1x128xi32, #tpu.memory_space<hbm>>
        %dma_start3A_186 = tpu.memref_squeeze %dma_start3A_185 : memref<1x128xi32, #tpu.memory_space<hbm>> -> memref<128xi32, #tpu.memory_space<hbm>>
        tpu.enqueue_dma source(%dma_start3A_186 : memref<128xi32, #tpu.memory_space<hbm>>) target(%dma_start3A_184 : memref<128xi32, #tpu.memory_space<vmem>>) target_semaphore(%arg13 : memref<!tpu.dma_semaphore, #tpu.memory_space<semaphore_mem>>)
        %scan3A_187 = arith.constant 0 : i32
        scf.yield %scan3A_187 : i32
      }
      %scan3A_57 = arith.constant 40 : i32
      %scan3A_58 = arith.constant 0 : i32
      %scan3A_59 = arith.constant 0 : i32
      %scan3A_60 = arith.constant 40 : i32
      %scan3A_61 = arith.addi %scan3A_59, %scan3A_60 : i32
      %scan3A_62 = arith.constant 1 : i32
      %scan3A_63 = scf.for %scan3A_157 = %scan3A_59 to %scan3A_61 step %scan3A_62 iter_args(%scan3A_158 = %scan3A_58) -> (i32)  : i32 {
        %mul3A_159 = arith.constant 128 : i32
        %mul3A_160 = arith.muli %add3A_50, %mul3A_159 : i32
        %dma_wait3A_161 = arith.constant 0 : i32
        %dma_wait3A_162 = arith.constant 0 : i32
        %dma_wait3A_163 = arith.constant 0 : i32
        %dma_wait3A_164 = tpu.memref_slice %arg6[%dma_wait3A_162, %dma_wait3A_163] : memref<40x128xi32, #tpu.memory_space<vmem>> -> memref<1x128xi32, #tpu.memory_space<vmem>>
        %dma_wait3A_165 = tpu.memref_squeeze %dma_wait3A_164 : memref<1x128xi32, #tpu.memory_space<vmem>> -> memref<128xi32, #tpu.memory_space<vmem>>
        %dma_wait3A_166 = tpu.memref_slice %arg3[%dma_wait3A_161, %mul3A_160] : memref<2x320000xi32, #tpu.memory_space<hbm>> -> memref<1x128xi32, #tpu.memory_space<hbm>>
        %dma_wait3A_167 = tpu.memref_squeeze %dma_wait3A_166 : memref<1x128xi32, #tpu.memory_space<hbm>> -> memref<128xi32, #tpu.memory_space<hbm>>
        %dma_wait3A_168 = arith.constant 0 : i32
        %dma_wait3A_169 = tpu.memref_slice %arg6[%dma_wait3A_162, %dma_wait3A_168] : memref<40x128xi32, #tpu.memory_space<vmem>> -> memref<1x128xi32, #tpu.memory_space<vmem>>
        %dma_wait3A_170 = tpu.memref_squeeze %dma_wait3A_169 : memref<1x128xi32, #tpu.memory_space<vmem>> -> memref<128xi32, #tpu.memory_space<vmem>>
        %dma_wait3A_171 = tpu.memref_slice %arg3[%dma_wait3A_161, %mul3A_160] : memref<2x320000xi32, #tpu.memory_space<hbm>> -> memref<1x128xi32, #tpu.memory_space<hbm>>
        %dma_wait3A_172 = tpu.memref_squeeze %dma_wait3A_171 : memref<1x128xi32, #tpu.memory_space<hbm>> -> memref<128xi32, #tpu.memory_space<hbm>>
        tpu.wait_dma2 semaphore(%arg13 : memref<!tpu.dma_semaphore, #tpu.memory_space<semaphore_mem>>) src(%dma_wait3A_172 : memref<128xi32, #tpu.memory_space<hbm>>) dst(%dma_wait3A_170 : memref<128xi32, #tpu.memory_space<vmem>>)
        %mul3A_173 = arith.constant 128 : i32
        %mul3A_174 = arith.muli %add3A_50, %mul3A_173 : i32
        %dma_wait3A_175 = arith.constant 1 : i32
        %dma_wait3A_176 = arith.constant 0 : i32
        %dma_wait3A_177 = arith.constant 0 : i32
        %dma_wait3A_178 = tpu.memref_slice %arg7[%dma_wait3A_176, %dma_wait3A_177] : memref<40x128xi32, #tpu.memory_space<vmem>> -> memref<1x128xi32, #tpu.memory_space<vmem>>
        %dma_wait3A_179 = tpu.memref_squeeze %dma_wait3A_178 : memref<1x128xi32, #tpu.memory_space<vmem>> -> memref<128xi32, #tpu.memory_space<vmem>>
        %dma_wait3A_180 = tpu.memref_slice %arg3[%dma_wait3A_175, %mul3A_174] : memref<2x320000xi32, #tpu.memory_space<hbm>> -> memref<1x128xi32, #tpu.memory_space<hbm>>
        %dma_wait3A_181 = tpu.memref_squeeze %dma_wait3A_180 : memref<1x128xi32, #tpu.memory_space<hbm>> -> memref<128xi32, #tpu.memory_space<hbm>>
        %dma_wait3A_182 = arith.constant 0 : i32
        %dma_wait3A_183 = tpu.memref_slice %arg7[%dma_wait3A_176, %dma_wait3A_182] : memref<40x128xi32, #tpu.memory_space<vmem>> -> memref<1x128xi32, #tpu.memory_space<vmem>>
        %dma_wait3A_184 = tpu.memref_squeeze %dma_wait3A_183 : memref<1x128xi32, #tpu.memory_space<vmem>> -> memref<128xi32, #tpu.memory_space<vmem>>
        %dma_wait3A_185 = tpu.memref_slice %arg3[%dma_wait3A_175, %mul3A_174] : memref<2x320000xi32, #tpu.memory_space<hbm>> -> memref<1x128xi32, #tpu.memory_space<hbm>>
        %dma_wait3A_186 = tpu.memref_squeeze %dma_wait3A_185 : memref<1x128xi32, #tpu.memory_space<hbm>> -> memref<128xi32, #tpu.memory_space<hbm>>
        tpu.wait_dma2 semaphore(%arg13 : memref<!tpu.dma_semaphore, #tpu.memory_space<semaphore_mem>>) src(%dma_wait3A_186 : memref<128xi32, #tpu.memory_space<hbm>>) dst(%dma_wait3A_184 : memref<128xi32, #tpu.memory_space<vmem>>)
        %scan3A_187 = arith.constant 0 : i32
        scf.yield %scan3A_187 : i32
      }
      %scan3A_64 = arith.constant 40 : i32
      %dma_start3A = arith.constant 0 : i32
      %dma_start3A_65 = arith.constant 0 : i32
      %dma_start3A_66 = arith.constant 0 : i32
      %dma_start3A_67 = arith.constant 0 : i32
      %dma_start3A_68 = tpu.memref_slice %arg8[%dma_start3A_65, %dma_start3A_66, %dma_start3A_67] : memref<2x128x128xf32, #tpu.memory_space<vmem>> -> memref<1x128x128xf32, #tpu.memory_space<vmem>>
      %dma_start3A_69 = tpu.memref_squeeze %dma_start3A_68 : memref<1x128x128xf32, #tpu.memory_space<vmem>> -> memref<128x128xf32, #tpu.memory_space<vmem>>
      %dma_start3A_70 = arith.constant 0 : i32
      %dma_start3A_71 = tpu.memref_slice %arg6[%dma_start3A, %dma_start3A_70] : memref<40x128xi32, #tpu.memory_space<vmem>> -> memref<1x128xi32, #tpu.memory_space<vmem>>
      %dma_start3A_72 = tpu.memref_squeeze %dma_start3A_71 : memref<1x128xi32, #tpu.memory_space<vmem>> -> memref<128xi32, #tpu.memory_space<vmem>>
      %dma_start3A_73 = arith.constant 0 : i32
      %dma_start3A_74 = arith.constant 0 : i32
      %dma_start3A_75 = tpu.memref_slice %arg2[%dma_start3A_73, %dma_start3A_74] : memref<10000x128xf32, #tpu.memory_space<hbm>> -> memref<10000x128xf32, #tpu.memory_space<hbm>>
      tpu.enqueue_indirect_dma source(%dma_start3A_75 : memref<10000x128xf32, #tpu.memory_space<hbm>>) target(%dma_start3A_69 : memref<128x128xf32, #tpu.memory_space<vmem>>) offsets(%dma_start3A_72 : memref<128xi32, #tpu.memory_space<vmem>>) semaphore(%arg13 : memref<!tpu.dma_semaphore, #tpu.memory_space<semaphore_mem>>)
      %scan3A_76 = arith.constant 0 : i32
      %scan3A_77 = arith.constant 0 : i32
      %scan3A_78 = arith.constant 40 : i32
      %scan3A_79 = arith.addi %scan3A_77, %scan3A_78 : i32
      %scan3A_80 = arith.constant 1 : i32
      %scan3A_81 = scf.for %scan3A_157 = %scan3A_77 to %scan3A_79 step %scan3A_80 iter_args(%scan3A_158 = %scan3A_76) -> (i32)  : i32 {
        %rem3A = arith.constant 2 : i32
        %rem3A_159 = arith.remsi %scan3A_157, %rem3A : i32
        %ge3A = arith.constant 1 : i32
        %ge3A_160 = arith.cmpi sge, %scan3A_157, %ge3A : i32
        %convert_element_type3A_161 = arith.extui %ge3A_160 : i1 to i32
        %cond3A_162 = arith.constant 0 : i32
        %cond3A_163 = arith.cmpi ne, %convert_element_type3A_161, %cond3A_162 : i32
        scf.if %cond3A_163 {
          %sub3A = arith.constant 1 : i32
          %sub3A_194 = arith.subi %sub3A, %rem3A_159 : i32
          %dma_wait3A_195 = arith.constant 0 : i32
          %dma_wait3A_196 = arith.constant 0 : i32
          %dma_wait3A_197 = arith.constant 0 : i32
          %dma_wait3A_198 = tpu.memref_slice %arg8[%sub3A_194, %dma_wait3A_196, %dma_wait3A_197] : memref<2x128x128xf32, #tpu.memory_space<vmem>> -> memref<1x128x128xf32, #tpu.memory_space<vmem>>
          %dma_wait3A_199 = tpu.memref_squeeze %dma_wait3A_198 : memref<1x128x128xf32, #tpu.memory_space<vmem>> -> memref<128x128xf32, #tpu.memory_space<vmem>>
          %dma_wait3A_200 = arith.constant 0 : i32
          %dma_wait3A_201 = tpu.memref_slice %arg7[%dma_wait3A_195, %dma_wait3A_200] : memref<40x128xi32, #tpu.memory_space<vmem>> -> memref<1x128xi32, #tpu.memory_space<vmem>>
          %dma_wait3A_202 = tpu.memref_squeeze %dma_wait3A_201 : memref<1x128xi32, #tpu.memory_space<vmem>> -> memref<128xi32, #tpu.memory_space<vmem>>
          %dma_wait3A_203 = arith.constant 0 : i32
          %dma_wait3A_204 = arith.constant 0 : i32
          %dma_wait3A_205 = tpu.memref_slice %arg11[%dma_wait3A_203, %dma_wait3A_204] : memref<10240x128xf32, #tpu.memory_space<vmem_shared>> -> memref<10240x128xf32, #tpu.memory_space<vmem_shared>>
          tpu.wait_indirect_dma semaphore(%arg14 : memref<!tpu.dma_semaphore, #tpu.memory_space<semaphore_mem>>) src(%dma_wait3A_199 : memref<128x128xf32, #tpu.memory_space<vmem>>) dst(%dma_wait3A_205 : memref<10240x128xf32, #tpu.memory_space<vmem_shared>>)
        } else {
        }
        %le3A = arith.constant 38 : i32
        %le3A_164 = arith.cmpi sle, %scan3A_157, %le3A : i32
        %convert_element_type3A_165 = arith.extui %le3A_164 : i1 to i32
        %cond3A_166 = arith.constant 0 : i32
        %cond3A_167 = arith.cmpi ne, %convert_element_type3A_165, %cond3A_166 : i32
        scf.if %cond3A_167 {
          %add3A_194 = arith.constant 1 : i32
          %add3A_195 = arith.addi %scan3A_157, %add3A_194 : i32
          %sub3A = arith.constant 1 : i32
          %sub3A_196 = arith.subi %sub3A, %rem3A_159 : i32
          %dma_start3A_197 = arith.constant 0 : i32
          %dma_start3A_198 = arith.constant 0 : i32
          %dma_start3A_199 = tpu.memref_slice %arg8[%sub3A_196, %dma_start3A_197, %dma_start3A_198] : memref<2x128x128xf32, #tpu.memory_space<vmem>> -> memref<1x128x128xf32, #tpu.memory_space<vmem>>
          %dma_start3A_200 = tpu.memref_squeeze %dma_start3A_199 : memref<1x128x128xf32, #tpu.memory_space<vmem>> -> memref<128x128xf32, #tpu.memory_space<vmem>>
          %dma_start3A_201 = arith.constant 0 : i32
          %dma_start3A_202 = tpu.memref_slice %arg6[%add3A_195, %dma_start3A_201] : memref<40x128xi32, #tpu.memory_space<vmem>> -> memref<1x128xi32, #tpu.memory_space<vmem>>
          %dma_start3A_203 = tpu.memref_squeeze %dma_start3A_202 : memref<1x128xi32, #tpu.memory_space<vmem>> -> memref<128xi32, #tpu.memory_space<vmem>>
          %dma_start3A_204 = arith.constant 0 : i32
          %dma_start3A_205 = arith.constant 0 : i32
          %dma_start3A_206 = tpu.memref_slice %arg2[%dma_start3A_204, %dma_start3A_205] : memref<10000x128xf32, #tpu.memory_space<hbm>> -> memref<10000x128xf32, #tpu.memory_space<hbm>>
          tpu.enqueue_indirect_dma source(%dma_start3A_206 : memref<10000x128xf32, #tpu.memory_space<hbm>>) target(%dma_start3A_200 : memref<128x128xf32, #tpu.memory_space<vmem>>) offsets(%dma_start3A_203 : memref<128xi32, #tpu.memory_space<vmem>>) semaphore(%arg13 : memref<!tpu.dma_semaphore, #tpu.memory_space<semaphore_mem>>)
        } else {
        }
        %dma_wait3A_168 = arith.constant 0 : i32
        %dma_wait3A_169 = arith.constant 0 : i32
        %dma_wait3A_170 = tpu.memref_slice %arg8[%rem3A_159, %dma_wait3A_168, %dma_wait3A_169] : memref<2x128x128xf32, #tpu.memory_space<vmem>> -> memref<1x128x128xf32, #tpu.memory_space<vmem>>
        %dma_wait3A_171 = tpu.memref_squeeze %dma_wait3A_170 : memref<1x128x128xf32, #tpu.memory_space<vmem>> -> memref<128x128xf32, #tpu.memory_space<vmem>>
        %dma_wait3A_172 = arith.constant 0 : i32
        %dma_wait3A_173 = tpu.memref_slice %arg6[%scan3A_157, %dma_wait3A_172] : memref<40x128xi32, #tpu.memory_space<vmem>> -> memref<1x128xi32, #tpu.memory_space<vmem>>
        %dma_wait3A_174 = tpu.memref_squeeze %dma_wait3A_173 : memref<1x128xi32, #tpu.memory_space<vmem>> -> memref<128xi32, #tpu.memory_space<vmem>>
        %dma_wait3A_175 = arith.constant 0 : i32
        %dma_wait3A_176 = arith.constant 0 : i32
        %dma_wait3A_177 = tpu.memref_slice %arg2[%dma_wait3A_175, %dma_wait3A_176] : memref<10000x128xf32, #tpu.memory_space<hbm>> -> memref<10000x128xf32, #tpu.memory_space<hbm>>
        tpu.wait_indirect_dma semaphore(%arg13 : memref<!tpu.dma_semaphore, #tpu.memory_space<semaphore_mem>>) src(%dma_wait3A_177 : memref<10000x128xf32, #tpu.memory_space<hbm>>) dst(%dma_wait3A_171 : memref<128x128xf32, #tpu.memory_space<vmem>>)
        %dma_start3A_178 = arith.constant 0 : i32
        %dma_start3A_179 = arith.constant 0 : i32
        %dma_start3A_180 = tpu.memref_slice %arg8[%rem3A_159, %dma_start3A_178, %dma_start3A_179] : memref<2x128x128xf32, #tpu.memory_space<vmem>> -> memref<1x128x128xf32, #tpu.memory_space<vmem>>
        %dma_start3A_181 = tpu.memref_squeeze %dma_start3A_180 : memref<1x128x128xf32, #tpu.memory_space<vmem>> -> memref<128x128xf32, #tpu.memory_space<vmem>>
        %dma_start3A_182 = arith.constant 0 : i32
        %dma_start3A_183 = tpu.memref_slice %arg7[%scan3A_157, %dma_start3A_182] : memref<40x128xi32, #tpu.memory_space<vmem>> -> memref<1x128xi32, #tpu.memory_space<vmem>>
        %dma_start3A_184 = tpu.memref_squeeze %dma_start3A_183 : memref<1x128xi32, #tpu.memory_space<vmem>> -> memref<128xi32, #tpu.memory_space<vmem>>
        %dma_start3A_185 = arith.constant 0 : i32
        %dma_start3A_186 = arith.constant 0 : i32
        %dma_start3A_187 = tpu.memref_slice %arg11[%dma_start3A_185, %dma_start3A_186] : memref<10240x128xf32, #tpu.memory_space<vmem_shared>> -> memref<10240x128xf32, #tpu.memory_space<vmem_shared>>
        tpu.enqueue_indirect_dma source(%dma_start3A_181 : memref<128x128xf32, #tpu.memory_space<vmem>>) target(%dma_start3A_187 : memref<10240x128xf32, #tpu.memory_space<vmem_shared>>) offsets(%dma_start3A_184 : memref<128xi32, #tpu.memory_space<vmem>>) semaphore(%arg14 : memref<!tpu.dma_semaphore, #tpu.memory_space<semaphore_mem>>) {add = true}
        %dma_start3A_188 = arith.constant 0 : i32
        %dma_start3A_189 = tpu.memref_slice %arg7[%scan3A_157, %dma_start3A_188] : memref<40x128xi32, #tpu.memory_space<vmem>> -> memref<1x128xi32, #tpu.memory_space<vmem>>
        %dma_start3A_190 = tpu.memref_squeeze %dma_start3A_189 : memref<1x128xi32, #tpu.memory_space<vmem>> -> memref<128xi32, #tpu.memory_space<vmem>>
        %dma_start3A_191 = arith.constant 0 : i32
        %dma_start3A_192 = tpu.memref_slice %arg12[%dma_start3A_191] : memref<10240xf32, #tpu.memory_space<vmem_shared>> -> memref<10240xf32, #tpu.memory_space<vmem_shared>>
        tpu.enqueue_indirect_dma source(%arg10 : memref<128xf32, #tpu.memory_space<vmem>>) target(%dma_start3A_192 : memref<10240xf32, #tpu.memory_space<vmem_shared>>) offsets(%dma_start3A_190 : memref<128xi32, #tpu.memory_space<vmem>>) semaphore(%arg15 : memref<!tpu.dma_semaphore, #tpu.memory_space<semaphore_mem>>) {add = true}
        %scan3A_193 = arith.constant 0 : i32
        scf.yield %scan3A_193 : i32
      }
      %scan3A_82 = arith.constant 40 : i32
      %dma_wait3A = arith.constant 1 : i32
      %dma_wait3A_83 = arith.constant 0 : i32
      %dma_wait3A_84 = arith.constant 0 : i32
      %dma_wait3A_85 = arith.constant 0 : i32
      %dma_wait3A_86 = tpu.memref_slice %arg8[%dma_wait3A, %dma_wait3A_84, %dma_wait3A_85] : memref<2x128x128xf32, #tpu.memory_space<vmem>> -> memref<1x128x128xf32, #tpu.memory_space<vmem>>
      %dma_wait3A_87 = tpu.memref_squeeze %dma_wait3A_86 : memref<1x128x128xf32, #tpu.memory_space<vmem>> -> memref<128x128xf32, #tpu.memory_space<vmem>>
      %dma_wait3A_88 = arith.constant 0 : i32
      %dma_wait3A_89 = tpu.memref_slice %arg7[%dma_wait3A_83, %dma_wait3A_88] : memref<40x128xi32, #tpu.memory_space<vmem>> -> memref<1x128xi32, #tpu.memory_space<vmem>>
      %dma_wait3A_90 = tpu.memref_squeeze %dma_wait3A_89 : memref<1x128xi32, #tpu.memory_space<vmem>> -> memref<128xi32, #tpu.memory_space<vmem>>
      %dma_wait3A_91 = arith.constant 0 : i32
      %dma_wait3A_92 = arith.constant 0 : i32
      %dma_wait3A_93 = tpu.memref_slice %arg11[%dma_wait3A_91, %dma_wait3A_92] : memref<10240x128xf32, #tpu.memory_space<vmem_shared>> -> memref<10240x128xf32, #tpu.memory_space<vmem_shared>>
      tpu.wait_indirect_dma semaphore(%arg14 : memref<!tpu.dma_semaphore, #tpu.memory_space<semaphore_mem>>) src(%dma_wait3A_87 : memref<128x128xf32, #tpu.memory_space<vmem>>) dst(%dma_wait3A_93 : memref<10240x128xf32, #tpu.memory_space<vmem_shared>>)
      %scan3A_94 = arith.constant 0 : i32
      %scan3A_95 = arith.constant 0 : i32
      %scan3A_96 = arith.constant 40 : i32
      %scan3A_97 = arith.addi %scan3A_95, %scan3A_96 : i32
      %scan3A_98 = arith.constant 1 : i32
      %scan3A_99 = scf.for %scan3A_157 = %scan3A_95 to %scan3A_97 step %scan3A_98 iter_args(%scan3A_158 = %scan3A_94) -> (i32)  : i32 {
        %dma_wait3A_159 = arith.constant 0 : i32
        %dma_wait3A_160 = arith.constant 0 : i32
        %dma_wait3A_161 = tpu.memref_slice %arg7[%dma_wait3A_159, %dma_wait3A_160] : memref<40x128xi32, #tpu.memory_space<vmem>> -> memref<1x128xi32, #tpu.memory_space<vmem>>
        %dma_wait3A_162 = tpu.memref_squeeze %dma_wait3A_161 : memref<1x128xi32, #tpu.memory_space<vmem>> -> memref<128xi32, #tpu.memory_space<vmem>>
        %dma_wait3A_163 = arith.constant 0 : i32
        %dma_wait3A_164 = tpu.memref_slice %arg12[%dma_wait3A_163] : memref<10240xf32, #tpu.memory_space<vmem_shared>> -> memref<10240xf32, #tpu.memory_space<vmem_shared>>
        tpu.wait_indirect_dma semaphore(%arg15 : memref<!tpu.dma_semaphore, #tpu.memory_space<semaphore_mem>>) src(%arg10 : memref<128xf32, #tpu.memory_space<vmem>>) dst(%dma_wait3A_164 : memref<10240xf32, #tpu.memory_space<vmem_shared>>)
        %scan3A_165 = arith.constant 0 : i32
        scf.yield %scan3A_165 : i32
      }
      %scan3A_100 = arith.constant 40 : i32
      %mul3A_101 = arith.constant 80 : i32
      %mul3A_102 = arith.muli %add3A, %mul3A_101 : i32
      %add3A_103 = arith.constant 40 : i32
      %add3A_104 = arith.addi %mul3A_102, %add3A_103 : i32
      %scan3A_105 = arith.constant 0 : i32
      %scan3A_106 = arith.constant 0 : i32
      %scan3A_107 = arith.constant 40 : i32
      %scan3A_108 = arith.addi %scan3A_106, %scan3A_107 : i32
      %scan3A_109 = arith.constant 1 : i32
      %scan3A_110 = scf.for %scan3A_157 = %scan3A_106 to %scan3A_108 step %scan3A_109 iter_args(%scan3A_158 = %scan3A_105) -> (i32)  : i32 {
        %add3A_159 = arith.addi %add3A_104, %scan3A_157 : i32
        %mul3A_160 = arith.constant 128 : i32
        %mul3A_161 = arith.muli %add3A_159, %mul3A_160 : i32
        %dma_start3A_162 = arith.constant 0 : i32
        %dma_start3A_163 = arith.constant 0 : i32
        %dma_start3A_164 = tpu.memref_slice %arg6[%scan3A_157, %dma_start3A_163] : memref<40x128xi32, #tpu.memory_space<vmem>> -> memref<1x128xi32, #tpu.memory_space<vmem>>
        %dma_start3A_165 = tpu.memref_squeeze %dma_start3A_164 : memref<1x128xi32, #tpu.memory_space<vmem>> -> memref<128xi32, #tpu.memory_space<vmem>>
        %dma_start3A_166 = tpu.memref_slice %arg3[%dma_start3A_162, %mul3A_161] : memref<2x320000xi32, #tpu.memory_space<hbm>> -> memref<1x128xi32, #tpu.memory_space<hbm>>
        %dma_start3A_167 = tpu.memref_squeeze %dma_start3A_166 : memref<1x128xi32, #tpu.memory_space<hbm>> -> memref<128xi32, #tpu.memory_space<hbm>>
        %dma_start3A_168 = arith.constant 0 : i32
        %dma_start3A_169 = tpu.memref_slice %arg6[%scan3A_157, %dma_start3A_168] : memref<40x128xi32, #tpu.memory_space<vmem>> -> memref<1x128xi32, #tpu.memory_space<vmem>>
        %dma_start3A_170 = tpu.memref_squeeze %dma_start3A_169 : memref<1x128xi32, #tpu.memory_space<vmem>> -> memref<128xi32, #tpu.memory_space<vmem>>
        %dma_start3A_171 = tpu.memref_slice %arg3[%dma_start3A_162, %mul3A_161] : memref<2x320000xi32, #tpu.memory_space<hbm>> -> memref<1x128xi32, #tpu.memory_space<hbm>>
        %dma_start3A_172 = tpu.memref_squeeze %dma_start3A_171 : memref<1x128xi32, #tpu.memory_space<hbm>> -> memref<128xi32, #tpu.memory_space<hbm>>
        tpu.enqueue_dma source(%dma_start3A_172 : memref<128xi32, #tpu.memory_space<hbm>>) target(%dma_start3A_170 : memref<128xi32, #tpu.memory_space<vmem>>) target_semaphore(%arg13 : memref<!tpu.dma_semaphore, #tpu.memory_space<semaphore_mem>>)
        %add3A_173 = arith.addi %add3A_104, %scan3A_157 : i32
        %mul3A_174 = arith.constant 128 : i32
        %mul3A_175 = arith.muli %add3A_173, %mul3A_174 : i32
        %dma_start3A_176 = arith.constant 1 : i32
        %dma_start3A_177 = arith.constant 0 : i32
        %dma_start3A_178 = tpu.memref_slice %arg7[%scan3A_157, %dma_start3A_177] : memref<40x128xi32, #tpu.memory_space<vmem>> -> memref<1x128xi32, #tpu.memory_space<vmem>>
        %dma_start3A_179 = tpu.memref_squeeze %dma_start3A_178 : memref<1x128xi32, #tpu.memory_space<vmem>> -> memref<128xi32, #tpu.memory_space<vmem>>
        %dma_start3A_180 = tpu.memref_slice %arg3[%dma_start3A_176, %mul3A_175] : memref<2x320000xi32, #tpu.memory_space<hbm>> -> memref<1x128xi32, #tpu.memory_space<hbm>>
        %dma_start3A_181 = tpu.memref_squeeze %dma_start3A_180 : memref<1x128xi32, #tpu.memory_space<hbm>> -> memref<128xi32, #tpu.memory_space<hbm>>
        %dma_start3A_182 = arith.constant 0 : i32
        %dma_start3A_183 = tpu.memref_slice %arg7[%scan3A_157, %dma_start3A_182] : memref<40x128xi32, #tpu.memory_space<vmem>> -> memref<1x128xi32, #tpu.memory_space<vmem>>
        %dma_start3A_184 = tpu.memref_squeeze %dma_start3A_183 : memref<1x128xi32, #tpu.memory_space<vmem>> -> memref<128xi32, #tpu.memory_space<vmem>>
        %dma_start3A_185 = tpu.memref_slice %arg3[%dma_start3A_176, %mul3A_175] : memref<2x320000xi32, #tpu.memory_space<hbm>> -> memref<1x128xi32, #tpu.memory_space<hbm>>
        %dma_start3A_186 = tpu.memref_squeeze %dma_start3A_185 : memref<1x128xi32, #tpu.memory_space<hbm>> -> memref<128xi32, #tpu.memory_space<hbm>>
        tpu.enqueue_dma source(%dma_start3A_186 : memref<128xi32, #tpu.memory_space<hbm>>) target(%dma_start3A_184 : memref<128xi32, #tpu.memory_space<vmem>>) target_semaphore(%arg13 : memref<!tpu.dma_semaphore, #tpu.memory_space<semaphore_mem>>)
        %scan3A_187 = arith.constant 0 : i32
        scf.yield %scan3A_187 : i32
      }
      %scan3A_111 = arith.constant 40 : i32
      %scan3A_112 = arith.constant 0 : i32
      %scan3A_113 = arith.constant 0 : i32
      %scan3A_114 = arith.constant 40 : i32
      %scan3A_115 = arith.addi %scan3A_113, %scan3A_114 : i32
      %scan3A_116 = arith.constant 1 : i32
      %scan3A_117 = scf.for %scan3A_157 = %scan3A_113 to %scan3A_115 step %scan3A_116 iter_args(%scan3A_158 = %scan3A_112) -> (i32)  : i32 {
        %mul3A_159 = arith.constant 128 : i32
        %mul3A_160 = arith.muli %add3A_104, %mul3A_159 : i32
        %dma_wait3A_161 = arith.constant 0 : i32
        %dma_wait3A_162 = arith.constant 0 : i32
        %dma_wait3A_163 = arith.constant 0 : i32
        %dma_wait3A_164 = tpu.memref_slice %arg6[%dma_wait3A_162, %dma_wait3A_163] : memref<40x128xi32, #tpu.memory_space<vmem>> -> memref<1x128xi32, #tpu.memory_space<vmem>>
        %dma_wait3A_165 = tpu.memref_squeeze %dma_wait3A_164 : memref<1x128xi32, #tpu.memory_space<vmem>> -> memref<128xi32, #tpu.memory_space<vmem>>
        %dma_wait3A_166 = tpu.memref_slice %arg3[%dma_wait3A_161, %mul3A_160] : memref<2x320000xi32, #tpu.memory_space<hbm>> -> memref<1x128xi32, #tpu.memory_space<hbm>>
        %dma_wait3A_167 = tpu.memref_squeeze %dma_wait3A_166 : memref<1x128xi32, #tpu.memory_space<hbm>> -> memref<128xi32, #tpu.memory_space<hbm>>
        %dma_wait3A_168 = arith.constant 0 : i32
        %dma_wait3A_169 = tpu.memref_slice %arg6[%dma_wait3A_162, %dma_wait3A_168] : memref<40x128xi32, #tpu.memory_space<vmem>> -> memref<1x128xi32, #tpu.memory_space<vmem>>
        %dma_wait3A_170 = tpu.memref_squeeze %dma_wait3A_169 : memref<1x128xi32, #tpu.memory_space<vmem>> -> memref<128xi32, #tpu.memory_space<vmem>>
        %dma_wait3A_171 = tpu.memref_slice %arg3[%dma_wait3A_161, %mul3A_160] : memref<2x320000xi32, #tpu.memory_space<hbm>> -> memref<1x128xi32, #tpu.memory_space<hbm>>
        %dma_wait3A_172 = tpu.memref_squeeze %dma_wait3A_171 : memref<1x128xi32, #tpu.memory_space<hbm>> -> memref<128xi32, #tpu.memory_space<hbm>>
        tpu.wait_dma2 semaphore(%arg13 : memref<!tpu.dma_semaphore, #tpu.memory_space<semaphore_mem>>) src(%dma_wait3A_172 : memref<128xi32, #tpu.memory_space<hbm>>) dst(%dma_wait3A_170 : memref<128xi32, #tpu.memory_space<vmem>>)
        %mul3A_173 = arith.constant 128 : i32
        %mul3A_174 = arith.muli %add3A_104, %mul3A_173 : i32
        %dma_wait3A_175 = arith.constant 1 : i32
        %dma_wait3A_176 = arith.constant 0 : i32
        %dma_wait3A_177 = arith.constant 0 : i32
        %dma_wait3A_178 = tpu.memref_slice %arg7[%dma_wait3A_176, %dma_wait3A_177] : memref<40x128xi32, #tpu.memory_space<vmem>> -> memref<1x128xi32, #tpu.memory_space<vmem>>
        %dma_wait3A_179 = tpu.memref_squeeze %dma_wait3A_178 : memref<1x128xi32, #tpu.memory_space<vmem>> -> memref<128xi32, #tpu.memory_space<vmem>>
        %dma_wait3A_180 = tpu.memref_slice %arg3[%dma_wait3A_175, %mul3A_174] : memref<2x320000xi32, #tpu.memory_space<hbm>> -> memref<1x128xi32, #tpu.memory_space<hbm>>
        %dma_wait3A_181 = tpu.memref_squeeze %dma_wait3A_180 : memref<1x128xi32, #tpu.memory_space<hbm>> -> memref<128xi32, #tpu.memory_space<hbm>>
        %dma_wait3A_182 = arith.constant 0 : i32
        %dma_wait3A_183 = tpu.memref_slice %arg7[%dma_wait3A_176, %dma_wait3A_182] : memref<40x128xi32, #tpu.memory_space<vmem>> -> memref<1x128xi32, #tpu.memory_space<vmem>>
        %dma_wait3A_184 = tpu.memref_squeeze %dma_wait3A_183 : memref<1x128xi32, #tpu.memory_space<vmem>> -> memref<128xi32, #tpu.memory_space<vmem>>
        %dma_wait3A_185 = tpu.memref_slice %arg3[%dma_wait3A_175, %mul3A_174] : memref<2x320000xi32, #tpu.memory_space<hbm>> -> memref<1x128xi32, #tpu.memory_space<hbm>>
        %dma_wait3A_186 = tpu.memref_squeeze %dma_wait3A_185 : memref<1x128xi32, #tpu.memory_space<hbm>> -> memref<128xi32, #tpu.memory_space<hbm>>
        tpu.wait_dma2 semaphore(%arg13 : memref<!tpu.dma_semaphore, #tpu.memory_space<semaphore_mem>>) src(%dma_wait3A_186 : memref<128xi32, #tpu.memory_space<hbm>>) dst(%dma_wait3A_184 : memref<128xi32, #tpu.memory_space<vmem>>)
        %scan3A_187 = arith.constant 0 : i32
        scf.yield %scan3A_187 : i32
      }
      %scan3A_118 = arith.constant 40 : i32
      %dma_start3A_119 = arith.constant 0 : i32
      %dma_start3A_120 = arith.constant 0 : i32
      %dma_start3A_121 = arith.constant 0 : i32
      %dma_start3A_122 = arith.constant 0 : i32
      %dma_start3A_123 = tpu.memref_slice %arg8[%dma_start3A_120, %dma_start3A_121, %dma_start3A_122] : memref<2x128x128xf32, #tpu.memory_space<vmem>> -> memref<1x128x128xf32, #tpu.memory_space<vmem>>
      %dma_start3A_124 = tpu.memref_squeeze %dma_start3A_123 : memref<1x128x128xf32, #tpu.memory_space<vmem>> -> memref<128x128xf32, #tpu.memory_space<vmem>>
      %dma_start3A_125 = arith.constant 0 : i32
      %dma_start3A_126 = tpu.memref_slice %arg6[%dma_start3A_119, %dma_start3A_125] : memref<40x128xi32, #tpu.memory_space<vmem>> -> memref<1x128xi32, #tpu.memory_space<vmem>>
      %dma_start3A_127 = tpu.memref_squeeze %dma_start3A_126 : memref<1x128xi32, #tpu.memory_space<vmem>> -> memref<128xi32, #tpu.memory_space<vmem>>
      %dma_start3A_128 = arith.constant 0 : i32
      %dma_start3A_129 = arith.constant 0 : i32
      %dma_start3A_130 = tpu.memref_slice %arg2[%dma_start3A_128, %dma_start3A_129] : memref<10000x128xf32, #tpu.memory_space<hbm>> -> memref<10000x128xf32, #tpu.memory_space<hbm>>
      tpu.enqueue_indirect_dma source(%dma_start3A_130 : memref<10000x128xf32, #tpu.memory_space<hbm>>) target(%dma_start3A_124 : memref<128x128xf32, #tpu.memory_space<vmem>>) offsets(%dma_start3A_127 : memref<128xi32, #tpu.memory_space<vmem>>) semaphore(%arg13 : memref<!tpu.dma_semaphore, #tpu.memory_space<semaphore_mem>>)
      %scan3A_131 = arith.constant 0 : i32
      %scan3A_132 = arith.constant 0 : i32
      %scan3A_133 = arith.constant 40 : i32
      %scan3A_134 = arith.addi %scan3A_132, %scan3A_133 : i32
      %scan3A_135 = arith.constant 1 : i32
      %scan3A_136 = scf.for %scan3A_157 = %scan3A_132 to %scan3A_134 step %scan3A_135 iter_args(%scan3A_158 = %scan3A_131) -> (i32)  : i32 {
        %rem3A = arith.constant 2 : i32
        %rem3A_159 = arith.remsi %scan3A_157, %rem3A : i32
        %ge3A = arith.constant 1 : i32
        %ge3A_160 = arith.cmpi sge, %scan3A_157, %ge3A : i32
        %convert_element_type3A_161 = arith.extui %ge3A_160 : i1 to i32
        %cond3A_162 = arith.constant 0 : i32
        %cond3A_163 = arith.cmpi ne, %convert_element_type3A_161, %cond3A_162 : i32
        scf.if %cond3A_163 {
          %sub3A = arith.constant 1 : i32
          %sub3A_194 = arith.subi %sub3A, %rem3A_159 : i32
          %dma_wait3A_195 = arith.constant 0 : i32
          %dma_wait3A_196 = arith.constant 0 : i32
          %dma_wait3A_197 = arith.constant 0 : i32
          %dma_wait3A_198 = tpu.memref_slice %arg8[%sub3A_194, %dma_wait3A_196, %dma_wait3A_197] : memref<2x128x128xf32, #tpu.memory_space<vmem>> -> memref<1x128x128xf32, #tpu.memory_space<vmem>>
          %dma_wait3A_199 = tpu.memref_squeeze %dma_wait3A_198 : memref<1x128x128xf32, #tpu.memory_space<vmem>> -> memref<128x128xf32, #tpu.memory_space<vmem>>
          %dma_wait3A_200 = arith.constant 0 : i32
          %dma_wait3A_201 = tpu.memref_slice %arg7[%dma_wait3A_195, %dma_wait3A_200] : memref<40x128xi32, #tpu.memory_space<vmem>> -> memref<1x128xi32, #tpu.memory_space<vmem>>
          %dma_wait3A_202 = tpu.memref_squeeze %dma_wait3A_201 : memref<1x128xi32, #tpu.memory_space<vmem>> -> memref<128xi32, #tpu.memory_space<vmem>>
          %dma_wait3A_203 = arith.constant 0 : i32
          %dma_wait3A_204 = arith.constant 0 : i32
          %dma_wait3A_205 = tpu.memref_slice %arg11[%dma_wait3A_203, %dma_wait3A_204] : memref<10240x128xf32, #tpu.memory_space<vmem_shared>> -> memref<10240x128xf32, #tpu.memory_space<vmem_shared>>
          tpu.wait_indirect_dma semaphore(%arg14 : memref<!tpu.dma_semaphore, #tpu.memory_space<semaphore_mem>>) src(%dma_wait3A_199 : memref<128x128xf32, #tpu.memory_space<vmem>>) dst(%dma_wait3A_205 : memref<10240x128xf32, #tpu.memory_space<vmem_shared>>)
        } else {
        }
        %le3A = arith.constant 38 : i32
        %le3A_164 = arith.cmpi sle, %scan3A_157, %le3A : i32
        %convert_element_type3A_165 = arith.extui %le3A_164 : i1 to i32
        %cond3A_166 = arith.constant 0 : i32
        %cond3A_167 = arith.cmpi ne, %convert_element_type3A_165, %cond3A_166 : i32
        scf.if %cond3A_167 {
          %add3A_194 = arith.constant 1 : i32
          %add3A_195 = arith.addi %scan3A_157, %add3A_194 : i32
          %sub3A = arith.constant 1 : i32
          %sub3A_196 = arith.subi %sub3A, %rem3A_159 : i32
          %dma_start3A_197 = arith.constant 0 : i32
          %dma_start3A_198 = arith.constant 0 : i32
          %dma_start3A_199 = tpu.memref_slice %arg8[%sub3A_196, %dma_start3A_197, %dma_start3A_198] : memref<2x128x128xf32, #tpu.memory_space<vmem>> -> memref<1x128x128xf32, #tpu.memory_space<vmem>>
          %dma_start3A_200 = tpu.memref_squeeze %dma_start3A_199 : memref<1x128x128xf32, #tpu.memory_space<vmem>> -> memref<128x128xf32, #tpu.memory_space<vmem>>
          %dma_start3A_201 = arith.constant 0 : i32
          %dma_start3A_202 = tpu.memref_slice %arg6[%add3A_195, %dma_start3A_201] : memref<40x128xi32, #tpu.memory_space<vmem>> -> memref<1x128xi32, #tpu.memory_space<vmem>>
          %dma_start3A_203 = tpu.memref_squeeze %dma_start3A_202 : memref<1x128xi32, #tpu.memory_space<vmem>> -> memref<128xi32, #tpu.memory_space<vmem>>
          %dma_start3A_204 = arith.constant 0 : i32
          %dma_start3A_205 = arith.constant 0 : i32
          %dma_start3A_206 = tpu.memref_slice %arg2[%dma_start3A_204, %dma_start3A_205] : memref<10000x128xf32, #tpu.memory_space<hbm>> -> memref<10000x128xf32, #tpu.memory_space<hbm>>
          tpu.enqueue_indirect_dma source(%dma_start3A_206 : memref<10000x128xf32, #tpu.memory_space<hbm>>) target(%dma_start3A_200 : memref<128x128xf32, #tpu.memory_space<vmem>>) offsets(%dma_start3A_203 : memref<128xi32, #tpu.memory_space<vmem>>) semaphore(%arg13 : memref<!tpu.dma_semaphore, #tpu.memory_space<semaphore_mem>>)
        } else {
        }
        %dma_wait3A_168 = arith.constant 0 : i32
        %dma_wait3A_169 = arith.constant 0 : i32
        %dma_wait3A_170 = tpu.memref_slice %arg8[%rem3A_159, %dma_wait3A_168, %dma_wait3A_169] : memref<2x128x128xf32, #tpu.memory_space<vmem>> -> memref<1x128x128xf32, #tpu.memory_space<vmem>>
        %dma_wait3A_171 = tpu.memref_squeeze %dma_wait3A_170 : memref<1x128x128xf32, #tpu.memory_space<vmem>> -> memref<128x128xf32, #tpu.memory_space<vmem>>
        %dma_wait3A_172 = arith.constant 0 : i32
        %dma_wait3A_173 = tpu.memref_slice %arg6[%scan3A_157, %dma_wait3A_172] : memref<40x128xi32, #tpu.memory_space<vmem>> -> memref<1x128xi32, #tpu.memory_space<vmem>>
        %dma_wait3A_174 = tpu.memref_squeeze %dma_wait3A_173 : memref<1x128xi32, #tpu.memory_space<vmem>> -> memref<128xi32, #tpu.memory_space<vmem>>
        %dma_wait3A_175 = arith.constant 0 : i32
        %dma_wait3A_176 = arith.constant 0 : i32
        %dma_wait3A_177 = tpu.memref_slice %arg2[%dma_wait3A_175, %dma_wait3A_176] : memref<10000x128xf32, #tpu.memory_space<hbm>> -> memref<10000x128xf32, #tpu.memory_space<hbm>>
        tpu.wait_indirect_dma semaphore(%arg13 : memref<!tpu.dma_semaphore, #tpu.memory_space<semaphore_mem>>) src(%dma_wait3A_177 : memref<10000x128xf32, #tpu.memory_space<hbm>>) dst(%dma_wait3A_171 : memref<128x128xf32, #tpu.memory_space<vmem>>)
        %dma_start3A_178 = arith.constant 0 : i32
        %dma_start3A_179 = arith.constant 0 : i32
        %dma_start3A_180 = tpu.memref_slice %arg8[%rem3A_159, %dma_start3A_178, %dma_start3A_179] : memref<2x128x128xf32, #tpu.memory_space<vmem>> -> memref<1x128x128xf32, #tpu.memory_space<vmem>>
        %dma_start3A_181 = tpu.memref_squeeze %dma_start3A_180 : memref<1x128x128xf32, #tpu.memory_space<vmem>> -> memref<128x128xf32, #tpu.memory_space<vmem>>
        %dma_start3A_182 = arith.constant 0 : i32
        %dma_start3A_183 = tpu.memref_slice %arg7[%scan3A_157, %dma_start3A_182] : memref<40x128xi32, #tpu.memory_space<vmem>> -> memref<1x128xi32, #tpu.memory_space<vmem>>
        %dma_start3A_184 = tpu.memref_squeeze %dma_start3A_183 : memref<1x128xi32, #tpu.memory_space<vmem>> -> memref<128xi32, #tpu.memory_space<vmem>>
        %dma_start3A_185 = arith.constant 0 : i32
        %dma_start3A_186 = arith.constant 0 : i32
        %dma_start3A_187 = tpu.memref_slice %arg11[%dma_start3A_185, %dma_start3A_186] : memref<10240x128xf32, #tpu.memory_space<vmem_shared>> -> memref<10240x128xf32, #tpu.memory_space<vmem_shared>>
        tpu.enqueue_indirect_dma source(%dma_start3A_181 : memref<128x128xf32, #tpu.memory_space<vmem>>) target(%dma_start3A_187 : memref<10240x128xf32, #tpu.memory_space<vmem_shared>>) offsets(%dma_start3A_184 : memref<128xi32, #tpu.memory_space<vmem>>) semaphore(%arg14 : memref<!tpu.dma_semaphore, #tpu.memory_space<semaphore_mem>>) {add = true}
        %dma_start3A_188 = arith.constant 0 : i32
        %dma_start3A_189 = tpu.memref_slice %arg7[%scan3A_157, %dma_start3A_188] : memref<40x128xi32, #tpu.memory_space<vmem>> -> memref<1x128xi32, #tpu.memory_space<vmem>>
        %dma_start3A_190 = tpu.memref_squeeze %dma_start3A_189 : memref<1x128xi32, #tpu.memory_space<vmem>> -> memref<128xi32, #tpu.memory_space<vmem>>
        %dma_start3A_191 = arith.constant 0 : i32
        %dma_start3A_192 = tpu.memref_slice %arg12[%dma_start3A_191] : memref<10240xf32, #tpu.memory_space<vmem_shared>> -> memref<10240xf32, #tpu.memory_space<vmem_shared>>
        tpu.enqueue_indirect_dma source(%arg10 : memref<128xf32, #tpu.memory_space<vmem>>) target(%dma_start3A_192 : memref<10240xf32, #tpu.memory_space<vmem_shared>>) offsets(%dma_start3A_190 : memref<128xi32, #tpu.memory_space<vmem>>) semaphore(%arg15 : memref<!tpu.dma_semaphore, #tpu.memory_space<semaphore_mem>>) {add = true}
        %scan3A_193 = arith.constant 0 : i32
        scf.yield %scan3A_193 : i32
      }
      %scan3A_137 = arith.constant 40 : i32
      %dma_wait3A_138 = arith.constant 1 : i32
      %dma_wait3A_139 = arith.constant 0 : i32
      %dma_wait3A_140 = arith.constant 0 : i32
      %dma_wait3A_141 = arith.constant 0 : i32
      %dma_wait3A_142 = tpu.memref_slice %arg8[%dma_wait3A_138, %dma_wait3A_140, %dma_wait3A_141] : memref<2x128x128xf32, #tpu.memory_space<vmem>> -> memref<1x128x128xf32, #tpu.memory_space<vmem>>
      %dma_wait3A_143 = tpu.memref_squeeze %dma_wait3A_142 : memref<1x128x128xf32, #tpu.memory_space<vmem>> -> memref<128x128xf32, #tpu.memory_space<vmem>>
      %dma_wait3A_144 = arith.constant 0 : i32
      %dma_wait3A_145 = tpu.memref_slice %arg7[%dma_wait3A_139, %dma_wait3A_144] : memref<40x128xi32, #tpu.memory_space<vmem>> -> memref<1x128xi32, #tpu.memory_space<vmem>>
      %dma_wait3A_146 = tpu.memref_squeeze %dma_wait3A_145 : memref<1x128xi32, #tpu.memory_space<vmem>> -> memref<128xi32, #tpu.memory_space<vmem>>
      %dma_wait3A_147 = arith.constant 0 : i32
      %dma_wait3A_148 = arith.constant 0 : i32
      %dma_wait3A_149 = tpu.memref_slice %arg11[%dma_wait3A_147, %dma_wait3A_148] : memref<10240x128xf32, #tpu.memory_space<vmem_shared>> -> memref<10240x128xf32, #tpu.memory_space<vmem_shared>>
      tpu.wait_indirect_dma semaphore(%arg14 : memref<!tpu.dma_semaphore, #tpu.memory_space<semaphore_mem>>) src(%dma_wait3A_143 : memref<128x128xf32, #tpu.memory_space<vmem>>) dst(%dma_wait3A_149 : memref<10240x128xf32, #tpu.memory_space<vmem_shared>>)
      %scan3A_150 = arith.constant 0 : i32
      %scan3A_151 = arith.constant 0 : i32
      %scan3A_152 = arith.constant 40 : i32
      %scan3A_153 = arith.addi %scan3A_151, %scan3A_152 : i32
      %scan3A_154 = arith.constant 1 : i32
      %scan3A_155 = scf.for %scan3A_157 = %scan3A_151 to %scan3A_153 step %scan3A_154 iter_args(%scan3A_158 = %scan3A_150) -> (i32)  : i32 {
        %dma_wait3A_159 = arith.constant 0 : i32
        %dma_wait3A_160 = arith.constant 0 : i32
        %dma_wait3A_161 = tpu.memref_slice %arg7[%dma_wait3A_159, %dma_wait3A_160] : memref<40x128xi32, #tpu.memory_space<vmem>> -> memref<1x128xi32, #tpu.memory_space<vmem>>
        %dma_wait3A_162 = tpu.memref_squeeze %dma_wait3A_161 : memref<1x128xi32, #tpu.memory_space<vmem>> -> memref<128xi32, #tpu.memory_space<vmem>>
        %dma_wait3A_163 = arith.constant 0 : i32
        %dma_wait3A_164 = tpu.memref_slice %arg12[%dma_wait3A_163] : memref<10240xf32, #tpu.memory_space<vmem_shared>> -> memref<10240xf32, #tpu.memory_space<vmem_shared>>
        tpu.wait_indirect_dma semaphore(%arg15 : memref<!tpu.dma_semaphore, #tpu.memory_space<semaphore_mem>>) src(%arg10 : memref<128xf32, #tpu.memory_space<vmem>>) dst(%dma_wait3A_164 : memref<10240xf32, #tpu.memory_space<vmem_shared>>)
        %scan3A_165 = arith.constant 0 : i32
        scf.yield %scan3A_165 : i32
      }
      %scan3A_156 = arith.constant 40 : i32
    } else {
    }
    %eq3A = arith.constant 31 : i32
    %eq3A_42 = arith.cmpi eq, %add3A, %eq3A : i32
    %convert_element_type3A_43 = arith.extui %eq3A_42 : i1 to i32
    %cond3A_44 = arith.constant 0 : i32
    %cond3A_45 = arith.cmpi ne, %convert_element_type3A_43, %cond3A_44 : i32
    scf.if %cond3A_45 {
      %scan3A_47 = arith.constant 0 : i32
      %scan3A_48 = arith.constant 0 : i32
      %scan3A_49 = arith.constant 20 : i32
      %scan3A_50 = arith.addi %scan3A_48, %scan3A_49 : i32
      %scan3A_51 = arith.constant 1 : i32
      %scan3A_52 = scf.for %scan3A_97 = %scan3A_48 to %scan3A_50 step %scan3A_51 iter_args(%scan3A_98 = %scan3A_47) -> (i32)  : i32 {
        %add3A_99 = arith.constant 2480 : i32
        %add3A_100 = arith.addi %add3A_99, %scan3A_97 : i32
        %mul3A_101 = arith.constant 128 : i32
        %mul3A_102 = arith.muli %add3A_100, %mul3A_101 : i32
        %dma_start3A_103 = arith.constant 0 : i32
        %dma_start3A_104 = arith.constant 0 : i32
        %dma_start3A_105 = tpu.memref_slice %arg6[%scan3A_97, %dma_start3A_104] : memref<40x128xi32, #tpu.memory_space<vmem>> -> memref<1x128xi32, #tpu.memory_space<vmem>>
        %dma_start3A_106 = tpu.memref_squeeze %dma_start3A_105 : memref<1x128xi32, #tpu.memory_space<vmem>> -> memref<128xi32, #tpu.memory_space<vmem>>
        %dma_start3A_107 = tpu.memref_slice %arg3[%dma_start3A_103, %mul3A_102] : memref<2x320000xi32, #tpu.memory_space<hbm>> -> memref<1x128xi32, #tpu.memory_space<hbm>>
        %dma_start3A_108 = tpu.memref_squeeze %dma_start3A_107 : memref<1x128xi32, #tpu.memory_space<hbm>> -> memref<128xi32, #tpu.memory_space<hbm>>
        %dma_start3A_109 = arith.constant 0 : i32
        %dma_start3A_110 = tpu.memref_slice %arg6[%scan3A_97, %dma_start3A_109] : memref<40x128xi32, #tpu.memory_space<vmem>> -> memref<1x128xi32, #tpu.memory_space<vmem>>
        %dma_start3A_111 = tpu.memref_squeeze %dma_start3A_110 : memref<1x128xi32, #tpu.memory_space<vmem>> -> memref<128xi32, #tpu.memory_space<vmem>>
        %dma_start3A_112 = tpu.memref_slice %arg3[%dma_start3A_103, %mul3A_102] : memref<2x320000xi32, #tpu.memory_space<hbm>> -> memref<1x128xi32, #tpu.memory_space<hbm>>
        %dma_start3A_113 = tpu.memref_squeeze %dma_start3A_112 : memref<1x128xi32, #tpu.memory_space<hbm>> -> memref<128xi32, #tpu.memory_space<hbm>>
        tpu.enqueue_dma source(%dma_start3A_113 : memref<128xi32, #tpu.memory_space<hbm>>) target(%dma_start3A_111 : memref<128xi32, #tpu.memory_space<vmem>>) target_semaphore(%arg13 : memref<!tpu.dma_semaphore, #tpu.memory_space<semaphore_mem>>)
        %add3A_114 = arith.constant 2480 : i32
        %add3A_115 = arith.addi %add3A_114, %scan3A_97 : i32
        %mul3A_116 = arith.constant 128 : i32
        %mul3A_117 = arith.muli %add3A_115, %mul3A_116 : i32
        %dma_start3A_118 = arith.constant 1 : i32
        %dma_start3A_119 = arith.constant 0 : i32
        %dma_start3A_120 = tpu.memref_slice %arg7[%scan3A_97, %dma_start3A_119] : memref<40x128xi32, #tpu.memory_space<vmem>> -> memref<1x128xi32, #tpu.memory_space<vmem>>
        %dma_start3A_121 = tpu.memref_squeeze %dma_start3A_120 : memref<1x128xi32, #tpu.memory_space<vmem>> -> memref<128xi32, #tpu.memory_space<vmem>>
        %dma_start3A_122 = tpu.memref_slice %arg3[%dma_start3A_118, %mul3A_117] : memref<2x320000xi32, #tpu.memory_space<hbm>> -> memref<1x128xi32, #tpu.memory_space<hbm>>
        %dma_start3A_123 = tpu.memref_squeeze %dma_start3A_122 : memref<1x128xi32, #tpu.memory_space<hbm>> -> memref<128xi32, #tpu.memory_space<hbm>>
        %dma_start3A_124 = arith.constant 0 : i32
        %dma_start3A_125 = tpu.memref_slice %arg7[%scan3A_97, %dma_start3A_124] : memref<40x128xi32, #tpu.memory_space<vmem>> -> memref<1x128xi32, #tpu.memory_space<vmem>>
        %dma_start3A_126 = tpu.memref_squeeze %dma_start3A_125 : memref<1x128xi32, #tpu.memory_space<vmem>> -> memref<128xi32, #tpu.memory_space<vmem>>
        %dma_start3A_127 = tpu.memref_slice %arg3[%dma_start3A_118, %mul3A_117] : memref<2x320000xi32, #tpu.memory_space<hbm>> -> memref<1x128xi32, #tpu.memory_space<hbm>>
        %dma_start3A_128 = tpu.memref_squeeze %dma_start3A_127 : memref<1x128xi32, #tpu.memory_space<hbm>> -> memref<128xi32, #tpu.memory_space<hbm>>
        tpu.enqueue_dma source(%dma_start3A_128 : memref<128xi32, #tpu.memory_space<hbm>>) target(%dma_start3A_126 : memref<128xi32, #tpu.memory_space<vmem>>) target_semaphore(%arg13 : memref<!tpu.dma_semaphore, #tpu.memory_space<semaphore_mem>>)
        %scan3A_129 = arith.constant 0 : i32
        scf.yield %scan3A_129 : i32
      }
      %scan3A_53 = arith.constant 20 : i32
      %scan3A_54 = arith.constant 0 : i32
      %scan3A_55 = arith.constant 0 : i32
      %scan3A_56 = arith.constant 20 : i32
      %scan3A_57 = arith.addi %scan3A_55, %scan3A_56 : i32
      %scan3A_58 = arith.constant 1 : i32
      %scan3A_59 = scf.for %scan3A_97 = %scan3A_55 to %scan3A_57 step %scan3A_58 iter_args(%scan3A_98 = %scan3A_54) -> (i32)  : i32 {
        %dma_wait3A_99 = arith.constant 0 : i32
        %dma_wait3A_100 = arith.constant 0 : i32
        %dma_wait3A_101 = arith.constant 0 : i32
        %dma_wait3A_102 = tpu.memref_slice %arg6[%dma_wait3A_100, %dma_wait3A_101] : memref<40x128xi32, #tpu.memory_space<vmem>> -> memref<1x128xi32, #tpu.memory_space<vmem>>
        %dma_wait3A_103 = tpu.memref_squeeze %dma_wait3A_102 : memref<1x128xi32, #tpu.memory_space<vmem>> -> memref<128xi32, #tpu.memory_space<vmem>>
        %dma_wait3A_104 = arith.constant 317440 : i32
        %dma_wait3A_105 = tpu.memref_slice %arg3[%dma_wait3A_99, %dma_wait3A_104] : memref<2x320000xi32, #tpu.memory_space<hbm>> -> memref<1x128xi32, #tpu.memory_space<hbm>>
        %dma_wait3A_106 = tpu.memref_squeeze %dma_wait3A_105 : memref<1x128xi32, #tpu.memory_space<hbm>> -> memref<128xi32, #tpu.memory_space<hbm>>
        %dma_wait3A_107 = arith.constant 0 : i32
        %dma_wait3A_108 = tpu.memref_slice %arg6[%dma_wait3A_100, %dma_wait3A_107] : memref<40x128xi32, #tpu.memory_space<vmem>> -> memref<1x128xi32, #tpu.memory_space<vmem>>
        %dma_wait3A_109 = tpu.memref_squeeze %dma_wait3A_108 : memref<1x128xi32, #tpu.memory_space<vmem>> -> memref<128xi32, #tpu.memory_space<vmem>>
        %dma_wait3A_110 = arith.constant 317440 : i32
        %dma_wait3A_111 = tpu.memref_slice %arg3[%dma_wait3A_99, %dma_wait3A_110] : memref<2x320000xi32, #tpu.memory_space<hbm>> -> memref<1x128xi32, #tpu.memory_space<hbm>>
        %dma_wait3A_112 = tpu.memref_squeeze %dma_wait3A_111 : memref<1x128xi32, #tpu.memory_space<hbm>> -> memref<128xi32, #tpu.memory_space<hbm>>
        tpu.wait_dma2 semaphore(%arg13 : memref<!tpu.dma_semaphore, #tpu.memory_space<semaphore_mem>>) src(%dma_wait3A_112 : memref<128xi32, #tpu.memory_space<hbm>>) dst(%dma_wait3A_109 : memref<128xi32, #tpu.memory_space<vmem>>)
        %dma_wait3A_113 = arith.constant 1 : i32
        %dma_wait3A_114 = arith.constant 0 : i32
        %dma_wait3A_115 = arith.constant 0 : i32
        %dma_wait3A_116 = tpu.memref_slice %arg7[%dma_wait3A_114, %dma_wait3A_115] : memref<40x128xi32, #tpu.memory_space<vmem>> -> memref<1x128xi32, #tpu.memory_space<vmem>>
        %dma_wait3A_117 = tpu.memref_squeeze %dma_wait3A_116 : memref<1x128xi32, #tpu.memory_space<vmem>> -> memref<128xi32, #tpu.memory_space<vmem>>
        %dma_wait3A_118 = arith.constant 317440 : i32
        %dma_wait3A_119 = tpu.memref_slice %arg3[%dma_wait3A_113, %dma_wait3A_118] : memref<2x320000xi32, #tpu.memory_space<hbm>> -> memref<1x128xi32, #tpu.memory_space<hbm>>
        %dma_wait3A_120 = tpu.memref_squeeze %dma_wait3A_119 : memref<1x128xi32, #tpu.memory_space<hbm>> -> memref<128xi32, #tpu.memory_space<hbm>>
        %dma_wait3A_121 = arith.constant 0 : i32
        %dma_wait3A_122 = tpu.memref_slice %arg7[%dma_wait3A_114, %dma_wait3A_121] : memref<40x128xi32, #tpu.memory_space<vmem>> -> memref<1x128xi32, #tpu.memory_space<vmem>>
        %dma_wait3A_123 = tpu.memref_squeeze %dma_wait3A_122 : memref<1x128xi32, #tpu.memory_space<vmem>> -> memref<128xi32, #tpu.memory_space<vmem>>
        %dma_wait3A_124 = arith.constant 317440 : i32
        %dma_wait3A_125 = tpu.memref_slice %arg3[%dma_wait3A_113, %dma_wait3A_124] : memref<2x320000xi32, #tpu.memory_space<hbm>> -> memref<1x128xi32, #tpu.memory_space<hbm>>
        %dma_wait3A_126 = tpu.memref_squeeze %dma_wait3A_125 : memref<1x128xi32, #tpu.memory_space<hbm>> -> memref<128xi32, #tpu.memory_space<hbm>>
        tpu.wait_dma2 semaphore(%arg13 : memref<!tpu.dma_semaphore, #tpu.memory_space<semaphore_mem>>) src(%dma_wait3A_126 : memref<128xi32, #tpu.memory_space<hbm>>) dst(%dma_wait3A_123 : memref<128xi32, #tpu.memory_space<vmem>>)
        %scan3A_127 = arith.constant 0 : i32
        scf.yield %scan3A_127 : i32
      }
      %scan3A_60 = arith.constant 20 : i32
      %dma_start3A = arith.constant 0 : i32
      %dma_start3A_61 = arith.constant 0 : i32
      %dma_start3A_62 = arith.constant 0 : i32
      %dma_start3A_63 = arith.constant 0 : i32
      %dma_start3A_64 = tpu.memref_slice %arg8[%dma_start3A_61, %dma_start3A_62, %dma_start3A_63] : memref<2x128x128xf32, #tpu.memory_space<vmem>> -> memref<1x128x128xf32, #tpu.memory_space<vmem>>
      %dma_start3A_65 = tpu.memref_squeeze %dma_start3A_64 : memref<1x128x128xf32, #tpu.memory_space<vmem>> -> memref<128x128xf32, #tpu.memory_space<vmem>>
      %dma_start3A_66 = arith.constant 0 : i32
      %dma_start3A_67 = tpu.memref_slice %arg6[%dma_start3A, %dma_start3A_66] : memref<40x128xi32, #tpu.memory_space<vmem>> -> memref<1x128xi32, #tpu.memory_space<vmem>>
      %dma_start3A_68 = tpu.memref_squeeze %dma_start3A_67 : memref<1x128xi32, #tpu.memory_space<vmem>> -> memref<128xi32, #tpu.memory_space<vmem>>
      %dma_start3A_69 = arith.constant 0 : i32
      %dma_start3A_70 = arith.constant 0 : i32
      %dma_start3A_71 = tpu.memref_slice %arg2[%dma_start3A_69, %dma_start3A_70] : memref<10000x128xf32, #tpu.memory_space<hbm>> -> memref<10000x128xf32, #tpu.memory_space<hbm>>
      tpu.enqueue_indirect_dma source(%dma_start3A_71 : memref<10000x128xf32, #tpu.memory_space<hbm>>) target(%dma_start3A_65 : memref<128x128xf32, #tpu.memory_space<vmem>>) offsets(%dma_start3A_68 : memref<128xi32, #tpu.memory_space<vmem>>) semaphore(%arg13 : memref<!tpu.dma_semaphore, #tpu.memory_space<semaphore_mem>>)
      %scan3A_72 = arith.constant 0 : i32
      %scan3A_73 = arith.constant 0 : i32
      %scan3A_74 = arith.constant 20 : i32
      %scan3A_75 = arith.addi %scan3A_73, %scan3A_74 : i32
      %scan3A_76 = arith.constant 1 : i32
      %scan3A_77 = scf.for %scan3A_97 = %scan3A_73 to %scan3A_75 step %scan3A_76 iter_args(%scan3A_98 = %scan3A_72) -> (i32)  : i32 {
        %rem3A = arith.constant 2 : i32
        %rem3A_99 = arith.remsi %scan3A_97, %rem3A : i32
        %ge3A = arith.constant 1 : i32
        %ge3A_100 = arith.cmpi sge, %scan3A_97, %ge3A : i32
        %convert_element_type3A_101 = arith.extui %ge3A_100 : i1 to i32
        %cond3A_102 = arith.constant 0 : i32
        %cond3A_103 = arith.cmpi ne, %convert_element_type3A_101, %cond3A_102 : i32
        scf.if %cond3A_103 {
          %sub3A = arith.constant 1 : i32
          %sub3A_134 = arith.subi %sub3A, %rem3A_99 : i32
          %dma_wait3A_135 = arith.constant 0 : i32
          %dma_wait3A_136 = arith.constant 0 : i32
          %dma_wait3A_137 = arith.constant 0 : i32
          %dma_wait3A_138 = tpu.memref_slice %arg8[%sub3A_134, %dma_wait3A_136, %dma_wait3A_137] : memref<2x128x128xf32, #tpu.memory_space<vmem>> -> memref<1x128x128xf32, #tpu.memory_space<vmem>>
          %dma_wait3A_139 = tpu.memref_squeeze %dma_wait3A_138 : memref<1x128x128xf32, #tpu.memory_space<vmem>> -> memref<128x128xf32, #tpu.memory_space<vmem>>
          %dma_wait3A_140 = arith.constant 0 : i32
          %dma_wait3A_141 = tpu.memref_slice %arg7[%dma_wait3A_135, %dma_wait3A_140] : memref<40x128xi32, #tpu.memory_space<vmem>> -> memref<1x128xi32, #tpu.memory_space<vmem>>
          %dma_wait3A_142 = tpu.memref_squeeze %dma_wait3A_141 : memref<1x128xi32, #tpu.memory_space<vmem>> -> memref<128xi32, #tpu.memory_space<vmem>>
          %dma_wait3A_143 = arith.constant 0 : i32
          %dma_wait3A_144 = arith.constant 0 : i32
          %dma_wait3A_145 = tpu.memref_slice %arg11[%dma_wait3A_143, %dma_wait3A_144] : memref<10240x128xf32, #tpu.memory_space<vmem_shared>> -> memref<10240x128xf32, #tpu.memory_space<vmem_shared>>
          tpu.wait_indirect_dma semaphore(%arg14 : memref<!tpu.dma_semaphore, #tpu.memory_space<semaphore_mem>>) src(%dma_wait3A_139 : memref<128x128xf32, #tpu.memory_space<vmem>>) dst(%dma_wait3A_145 : memref<10240x128xf32, #tpu.memory_space<vmem_shared>>)
        } else {
        }
        %le3A = arith.constant 18 : i32
        %le3A_104 = arith.cmpi sle, %scan3A_97, %le3A : i32
        %convert_element_type3A_105 = arith.extui %le3A_104 : i1 to i32
        %cond3A_106 = arith.constant 0 : i32
        %cond3A_107 = arith.cmpi ne, %convert_element_type3A_105, %cond3A_106 : i32
        scf.if %cond3A_107 {
          %add3A_134 = arith.constant 1 : i32
          %add3A_135 = arith.addi %scan3A_97, %add3A_134 : i32
          %sub3A = arith.constant 1 : i32
          %sub3A_136 = arith.subi %sub3A, %rem3A_99 : i32
          %dma_start3A_137 = arith.constant 0 : i32
          %dma_start3A_138 = arith.constant 0 : i32
          %dma_start3A_139 = tpu.memref_slice %arg8[%sub3A_136, %dma_start3A_137, %dma_start3A_138] : memref<2x128x128xf32, #tpu.memory_space<vmem>> -> memref<1x128x128xf32, #tpu.memory_space<vmem>>
          %dma_start3A_140 = tpu.memref_squeeze %dma_start3A_139 : memref<1x128x128xf32, #tpu.memory_space<vmem>> -> memref<128x128xf32, #tpu.memory_space<vmem>>
          %dma_start3A_141 = arith.constant 0 : i32
          %dma_start3A_142 = tpu.memref_slice %arg6[%add3A_135, %dma_start3A_141] : memref<40x128xi32, #tpu.memory_space<vmem>> -> memref<1x128xi32, #tpu.memory_space<vmem>>
          %dma_start3A_143 = tpu.memref_squeeze %dma_start3A_142 : memref<1x128xi32, #tpu.memory_space<vmem>> -> memref<128xi32, #tpu.memory_space<vmem>>
          %dma_start3A_144 = arith.constant 0 : i32
          %dma_start3A_145 = arith.constant 0 : i32
          %dma_start3A_146 = tpu.memref_slice %arg2[%dma_start3A_144, %dma_start3A_145] : memref<10000x128xf32, #tpu.memory_space<hbm>> -> memref<10000x128xf32, #tpu.memory_space<hbm>>
          tpu.enqueue_indirect_dma source(%dma_start3A_146 : memref<10000x128xf32, #tpu.memory_space<hbm>>) target(%dma_start3A_140 : memref<128x128xf32, #tpu.memory_space<vmem>>) offsets(%dma_start3A_143 : memref<128xi32, #tpu.memory_space<vmem>>) semaphore(%arg13 : memref<!tpu.dma_semaphore, #tpu.memory_space<semaphore_mem>>)
        } else {
        }
        %dma_wait3A_108 = arith.constant 0 : i32
        %dma_wait3A_109 = arith.constant 0 : i32
        %dma_wait3A_110 = tpu.memref_slice %arg8[%rem3A_99, %dma_wait3A_108, %dma_wait3A_109] : memref<2x128x128xf32, #tpu.memory_space<vmem>> -> memref<1x128x128xf32, #tpu.memory_space<vmem>>
        %dma_wait3A_111 = tpu.memref_squeeze %dma_wait3A_110 : memref<1x128x128xf32, #tpu.memory_space<vmem>> -> memref<128x128xf32, #tpu.memory_space<vmem>>
        %dma_wait3A_112 = arith.constant 0 : i32
        %dma_wait3A_113 = tpu.memref_slice %arg6[%scan3A_97, %dma_wait3A_112] : memref<40x128xi32, #tpu.memory_space<vmem>> -> memref<1x128xi32, #tpu.memory_space<vmem>>
        %dma_wait3A_114 = tpu.memref_squeeze %dma_wait3A_113 : memref<1x128xi32, #tpu.memory_space<vmem>> -> memref<128xi32, #tpu.memory_space<vmem>>
        %dma_wait3A_115 = arith.constant 0 : i32
        %dma_wait3A_116 = arith.constant 0 : i32
        %dma_wait3A_117 = tpu.memref_slice %arg2[%dma_wait3A_115, %dma_wait3A_116] : memref<10000x128xf32, #tpu.memory_space<hbm>> -> memref<10000x128xf32, #tpu.memory_space<hbm>>
        tpu.wait_indirect_dma semaphore(%arg13 : memref<!tpu.dma_semaphore, #tpu.memory_space<semaphore_mem>>) src(%dma_wait3A_117 : memref<10000x128xf32, #tpu.memory_space<hbm>>) dst(%dma_wait3A_111 : memref<128x128xf32, #tpu.memory_space<vmem>>)
        %dma_start3A_118 = arith.constant 0 : i32
        %dma_start3A_119 = arith.constant 0 : i32
        %dma_start3A_120 = tpu.memref_slice %arg8[%rem3A_99, %dma_start3A_118, %dma_start3A_119] : memref<2x128x128xf32, #tpu.memory_space<vmem>> -> memref<1x128x128xf32, #tpu.memory_space<vmem>>
        %dma_start3A_121 = tpu.memref_squeeze %dma_start3A_120 : memref<1x128x128xf32, #tpu.memory_space<vmem>> -> memref<128x128xf32, #tpu.memory_space<vmem>>
        %dma_start3A_122 = arith.constant 0 : i32
        %dma_start3A_123 = tpu.memref_slice %arg7[%scan3A_97, %dma_start3A_122] : memref<40x128xi32, #tpu.memory_space<vmem>> -> memref<1x128xi32, #tpu.memory_space<vmem>>
        %dma_start3A_124 = tpu.memref_squeeze %dma_start3A_123 : memref<1x128xi32, #tpu.memory_space<vmem>> -> memref<128xi32, #tpu.memory_space<vmem>>
        %dma_start3A_125 = arith.constant 0 : i32
        %dma_start3A_126 = arith.constant 0 : i32
        %dma_start3A_127 = tpu.memref_slice %arg11[%dma_start3A_125, %dma_start3A_126] : memref<10240x128xf32, #tpu.memory_space<vmem_shared>> -> memref<10240x128xf32, #tpu.memory_space<vmem_shared>>
        tpu.enqueue_indirect_dma source(%dma_start3A_121 : memref<128x128xf32, #tpu.memory_space<vmem>>) target(%dma_start3A_127 : memref<10240x128xf32, #tpu.memory_space<vmem_shared>>) offsets(%dma_start3A_124 : memref<128xi32, #tpu.memory_space<vmem>>) semaphore(%arg14 : memref<!tpu.dma_semaphore, #tpu.memory_space<semaphore_mem>>) {add = true}
        %dma_start3A_128 = arith.constant 0 : i32
        %dma_start3A_129 = tpu.memref_slice %arg7[%scan3A_97, %dma_start3A_128] : memref<40x128xi32, #tpu.memory_space<vmem>> -> memref<1x128xi32, #tpu.memory_space<vmem>>
        %dma_start3A_130 = tpu.memref_squeeze %dma_start3A_129 : memref<1x128xi32, #tpu.memory_space<vmem>> -> memref<128xi32, #tpu.memory_space<vmem>>
        %dma_start3A_131 = arith.constant 0 : i32
        %dma_start3A_132 = tpu.memref_slice %arg12[%dma_start3A_131] : memref<10240xf32, #tpu.memory_space<vmem_shared>> -> memref<10240xf32, #tpu.memory_space<vmem_shared>>
        tpu.enqueue_indirect_dma source(%arg10 : memref<128xf32, #tpu.memory_space<vmem>>) target(%dma_start3A_132 : memref<10240xf32, #tpu.memory_space<vmem_shared>>) offsets(%dma_start3A_130 : memref<128xi32, #tpu.memory_space<vmem>>) semaphore(%arg15 : memref<!tpu.dma_semaphore, #tpu.memory_space<semaphore_mem>>) {add = true}
        %scan3A_133 = arith.constant 0 : i32
        scf.yield %scan3A_133 : i32
      }
      %scan3A_78 = arith.constant 20 : i32
      %dma_wait3A = arith.constant 1 : i32
      %dma_wait3A_79 = arith.constant 0 : i32
      %dma_wait3A_80 = arith.constant 0 : i32
      %dma_wait3A_81 = arith.constant 0 : i32
      %dma_wait3A_82 = tpu.memref_slice %arg8[%dma_wait3A, %dma_wait3A_80, %dma_wait3A_81] : memref<2x128x128xf32, #tpu.memory_space<vmem>> -> memref<1x128x128xf32, #tpu.memory_space<vmem>>
      %dma_wait3A_83 = tpu.memref_squeeze %dma_wait3A_82 : memref<1x128x128xf32, #tpu.memory_space<vmem>> -> memref<128x128xf32, #tpu.memory_space<vmem>>
      %dma_wait3A_84 = arith.constant 0 : i32
      %dma_wait3A_85 = tpu.memref_slice %arg7[%dma_wait3A_79, %dma_wait3A_84] : memref<40x128xi32, #tpu.memory_space<vmem>> -> memref<1x128xi32, #tpu.memory_space<vmem>>
      %dma_wait3A_86 = tpu.memref_squeeze %dma_wait3A_85 : memref<1x128xi32, #tpu.memory_space<vmem>> -> memref<128xi32, #tpu.memory_space<vmem>>
      %dma_wait3A_87 = arith.constant 0 : i32
      %dma_wait3A_88 = arith.constant 0 : i32
      %dma_wait3A_89 = tpu.memref_slice %arg11[%dma_wait3A_87, %dma_wait3A_88] : memref<10240x128xf32, #tpu.memory_space<vmem_shared>> -> memref<10240x128xf32, #tpu.memory_space<vmem_shared>>
      tpu.wait_indirect_dma semaphore(%arg14 : memref<!tpu.dma_semaphore, #tpu.memory_space<semaphore_mem>>) src(%dma_wait3A_83 : memref<128x128xf32, #tpu.memory_space<vmem>>) dst(%dma_wait3A_89 : memref<10240x128xf32, #tpu.memory_space<vmem_shared>>)
      %scan3A_90 = arith.constant 0 : i32
      %scan3A_91 = arith.constant 0 : i32
      %scan3A_92 = arith.constant 20 : i32
      %scan3A_93 = arith.addi %scan3A_91, %scan3A_92 : i32
      %scan3A_94 = arith.constant 1 : i32
      %scan3A_95 = scf.for %scan3A_97 = %scan3A_91 to %scan3A_93 step %scan3A_94 iter_args(%scan3A_98 = %scan3A_90) -> (i32)  : i32 {
        %dma_wait3A_99 = arith.constant 0 : i32
        %dma_wait3A_100 = arith.constant 0 : i32
        %dma_wait3A_101 = tpu.memref_slice %arg7[%dma_wait3A_99, %dma_wait3A_100] : memref<40x128xi32, #tpu.memory_space<vmem>> -> memref<1x128xi32, #tpu.memory_space<vmem>>
        %dma_wait3A_102 = tpu.memref_squeeze %dma_wait3A_101 : memref<1x128xi32, #tpu.memory_space<vmem>> -> memref<128xi32, #tpu.memory_space<vmem>>
        %dma_wait3A_103 = arith.constant 0 : i32
        %dma_wait3A_104 = tpu.memref_slice %arg12[%dma_wait3A_103] : memref<10240xf32, #tpu.memory_space<vmem_shared>> -> memref<10240xf32, #tpu.memory_space<vmem_shared>>
        tpu.wait_indirect_dma semaphore(%arg15 : memref<!tpu.dma_semaphore, #tpu.memory_space<semaphore_mem>>) src(%arg10 : memref<128xf32, #tpu.memory_space<vmem>>) dst(%dma_wait3A_104 : memref<10240xf32, #tpu.memory_space<vmem_shared>>)
        %scan3A_105 = arith.constant 0 : i32
        scf.yield %scan3A_105 : i32
      }
      %scan3A_96 = arith.constant 20 : i32
    } else {
    }
    %barrier3A_46 = arith.constant 0 : index
    tpu.barrier barrier_id(%barrier3A_46)
    "tpu.region"() ({
      %run_scoped3A_47 = tpu.sem_alloc : memref<!tpu.dma_semaphore, #tpu.memory_space<semaphore_mem>>
      %dma_start3A = arith.constant 0 : i32
      %dma_start3A_48 = tpu.memref_slice %arg4[%arg0, %mul3A_25, %dma_start3A] : memref<2x10240x128xf32, #tpu.memory_space<hbm>> -> memref<1x640x128xf32, #tpu.memory_space<hbm>>
      %dma_start3A_49 = tpu.memref_squeeze %dma_start3A_48 : memref<1x640x128xf32, #tpu.memory_space<hbm>> -> memref<640x128xf32, #tpu.memory_space<hbm>>
      %dma_start3A_50 = arith.constant 0 : i32
      %dma_start3A_51 = tpu.memref_slice %arg11[%mul3A_25, %dma_start3A_50] : memref<10240x128xf32, #tpu.memory_space<vmem_shared>> -> memref<640x128xf32, #tpu.memory_space<vmem_shared>>
      tpu.enqueue_dma source(%dma_start3A_51 : memref<640x128xf32, #tpu.memory_space<vmem_shared>>) target(%dma_start3A_49 : memref<640x128xf32, #tpu.memory_space<hbm>>) target_semaphore(%run_scoped3A_47 : memref<!tpu.dma_semaphore, #tpu.memory_space<semaphore_mem>>)
      %dma_wait3A = arith.constant 0 : i32
      %dma_wait3A_52 = tpu.memref_slice %arg4[%arg0, %mul3A_25, %dma_wait3A] : memref<2x10240x128xf32, #tpu.memory_space<hbm>> -> memref<1x640x128xf32, #tpu.memory_space<hbm>>
      %dma_wait3A_53 = tpu.memref_squeeze %dma_wait3A_52 : memref<1x640x128xf32, #tpu.memory_space<hbm>> -> memref<640x128xf32, #tpu.memory_space<hbm>>
      %dma_wait3A_54 = arith.constant 0 : i32
      %dma_wait3A_55 = tpu.memref_slice %arg11[%mul3A_25, %dma_wait3A_54] : memref<10240x128xf32, #tpu.memory_space<vmem_shared>> -> memref<640x128xf32, #tpu.memory_space<vmem_shared>>
      tpu.wait_dma2 semaphore(%run_scoped3A_47 : memref<!tpu.dma_semaphore, #tpu.memory_space<semaphore_mem>>) src(%dma_wait3A_55 : memref<640x128xf32, #tpu.memory_space<vmem_shared>>) dst(%dma_wait3A_53 : memref<640x128xf32, #tpu.memory_space<hbm>>)
      tpu.yield
    }) : () -> ()
    "tpu.region"() ({
      %run_scoped3A_47 = tpu.sem_alloc : memref<!tpu.dma_semaphore, #tpu.memory_space<semaphore_mem>>
      %dma_start3A = tpu.memref_slice %arg5[%arg0, %mul3A_25] : memref<2x10240xf32, #tpu.memory_space<hbm>> -> memref<1x640xf32, #tpu.memory_space<hbm>>
      %dma_start3A_48 = tpu.memref_squeeze %dma_start3A : memref<1x640xf32, #tpu.memory_space<hbm>> -> memref<640xf32, #tpu.memory_space<hbm>>
      %dma_start3A_49 = tpu.memref_slice %arg12[%mul3A_25] : memref<10240xf32, #tpu.memory_space<vmem_shared>> -> memref<640xf32, #tpu.memory_space<vmem_shared>>
      tpu.enqueue_dma source(%dma_start3A_49 : memref<640xf32, #tpu.memory_space<vmem_shared>>) target(%dma_start3A_48 : memref<640xf32, #tpu.memory_space<hbm>>) target_semaphore(%run_scoped3A_47 : memref<!tpu.dma_semaphore, #tpu.memory_space<semaphore_mem>>)
      %dma_wait3A = tpu.memref_slice %arg5[%arg0, %mul3A_25] : memref<2x10240xf32, #tpu.memory_space<hbm>> -> memref<1x640xf32, #tpu.memory_space<hbm>>
      %dma_wait3A_50 = tpu.memref_squeeze %dma_wait3A : memref<1x640xf32, #tpu.memory_space<hbm>> -> memref<640xf32, #tpu.memory_space<hbm>>
      %dma_wait3A_51 = tpu.memref_slice %arg12[%mul3A_25] : memref<10240xf32, #tpu.memory_space<vmem_shared>> -> memref<640xf32, #tpu.memory_space<vmem_shared>>
      tpu.wait_dma2 semaphore(%run_scoped3A_47 : memref<!tpu.dma_semaphore, #tpu.memory_space<semaphore_mem>>) src(%dma_wait3A_51 : memref<640xf32, #tpu.memory_space<vmem_shared>>) dst(%dma_wait3A_50 : memref<640xf32, #tpu.memory_space<hbm>>)
      tpu.yield
    }) : () -> ()
    return
  }
}

module attributes {stable_mosaic.version = 14 : i64} {
  func.func @body(%arg0: i32, %arg1: memref<2x2048x128xf32, #tpu.memory_space<vmem>>, %arg2: memref<2x2048xf32, #tpu.memory_space<vmem>>, %arg3: memref<128x128xf32, #tpu.memory_space<vmem>>, %arg4: memref<1x128xf32, #tpu.memory_space<vmem>>, %arg5: memref<128x64xf32, #tpu.memory_space<vmem>>, %arg6: memref<1x64xf32, #tpu.memory_space<vmem>>, %arg7: memref<64x8xf32, #tpu.memory_space<vmem>>, %arg8: memref<1x8xf32, #tpu.memory_space<vmem>>, %arg9: memref<2048x5xf32, #tpu.memory_space<vmem>>) attributes {dimension_semantics = [#tpu.dimension_semantics<arbitrary>], iteration_bounds = array<i64: 5>, scalar_prefetch = 0 : i64, scratch_operands = 0 : i64, tpu.core_type = #tpu.core_type<tc>, window_params = [{transform_indices = @transform_0, window_bounds = array<i64: 2, 2048, 128>}, {transform_indices = @transform_1, window_bounds = array<i64: 2, 2048>}, {pipeline_mode = #tpu.pipeline_mode<synchronous>, transform_indices = @transform_2, window_bounds = array<i64: 128, 128>}, {pipeline_mode = #tpu.pipeline_mode<synchronous>, transform_indices = @transform_3, window_bounds = array<i64: 1, 128>}, {pipeline_mode = #tpu.pipeline_mode<synchronous>, transform_indices = @transform_4, window_bounds = array<i64: 128, 64>}, {pipeline_mode = #tpu.pipeline_mode<synchronous>, transform_indices = @transform_5, window_bounds = array<i64: 1, 64>}, {pipeline_mode = #tpu.pipeline_mode<synchronous>, transform_indices = @transform_6, window_bounds = array<i64: 64, 8>}, {pipeline_mode = #tpu.pipeline_mode<synchronous>, transform_indices = @transform_7, window_bounds = array<i64: 1, 8>}, {transform_indices = @transform_8, window_bounds = array<i64: 2048, 5>}]} {
    %get3A = arith.constant 0 : index
    %get3A_0 = arith.constant 0 : index
    %get3A_1 = vector.load %arg2[%get3A, %get3A_0] : memref<2x2048xf32, #tpu.memory_space<vmem>>, vector<1x2048xf32>
    %get3A_2 = arith.constant 1 : index
    %get3A_3 = arith.constant 0 : index
    %get3A_4 = vector.load %arg2[%get3A_2, %get3A_3] : memref<2x2048xf32, #tpu.memory_space<vmem>>, vector<1x2048xf32>
    %add3A = arith.addf %get3A_1, %get3A_4 : vector<1x2048xf32>
    %transpose3A = tpu.transpose %add3A, [1, 0] : vector<1x2048xf32> -> vector<2048x1xf32>
    %get3A_5 = arith.constant 0 : index
    %get3A_6 = arith.constant 0 : index
    %get3A_7 = arith.constant 0 : index
    %get3A_8 = vector.load %arg1[%get3A_5, %get3A_6, %get3A_7] : memref<2x2048x128xf32, #tpu.memory_space<vmem>>, vector<1x2048x128xf32>
    %get3A_9 = vector.shape_cast %get3A_8 : vector<1x2048x128xf32> to vector<2048x128xf32>
    %get3A_10 = arith.constant 1 : index
    %get3A_11 = arith.constant 0 : index
    %get3A_12 = arith.constant 0 : index
    %get3A_13 = vector.load %arg1[%get3A_10, %get3A_11, %get3A_12] : memref<2x2048x128xf32, #tpu.memory_space<vmem>>, vector<1x2048x128xf32>
    %get3A_14 = vector.shape_cast %get3A_13 : vector<1x2048x128xf32> to vector<2048x128xf32>
    %add3A_15 = arith.addf %get3A_9, %get3A_14 : vector<2048x128xf32>
    %max3A = arith.constant 1.000000e+00 : f32
    %max3A_16 = vector.broadcast %max3A : f32 to vector<2048x1xf32>
    %max3A_17 = arith.maximumf %transpose3A, %max3A_16 : vector<2048x1xf32>
    %div3A = vector.broadcast %max3A_17 : vector<2048x1xf32> to vector<2048x128xf32>
    %div3A_18 = arith.divf %add3A_15, %div3A : vector<2048x128xf32>
    %get3A_19 = arith.constant 0 : index
    %get3A_20 = arith.constant 0 : index
    %get3A_21 = vector.load %arg3[%get3A_19, %get3A_20] : memref<128x128xf32, #tpu.memory_space<vmem>>, vector<128x128xf32>
    %convert_element_type3A = arith.truncf %div3A_18 : vector<2048x128xf32> to vector<2048x128xbf16>
    %convert_element_type3A_22 = arith.extf %convert_element_type3A : vector<2048x128xbf16> to vector<2048x128xf32>
    %sub3A = arith.subf %div3A_18, %convert_element_type3A_22 : vector<2048x128xf32>
    %convert_element_type3A_23 = arith.truncf %sub3A : vector<2048x128xf32> to vector<2048x128xbf16>
    %convert_element_type3A_24 = arith.truncf %get3A_21 : vector<128x128xf32> to vector<128x128xbf16>
    %convert_element_type3A_25 = arith.extf %convert_element_type3A_24 : vector<128x128xbf16> to vector<128x128xf32>
    %sub3A_26 = arith.subf %get3A_21, %convert_element_type3A_25 : vector<128x128xf32>
    %convert_element_type3A_27 = arith.truncf %sub3A_26 : vector<128x128xf32> to vector<128x128xbf16>
    %dot_general3A = arith.constant dense<0.000000e+00> : vector<2048x128xf32>
    %dot_general3A_28 = tpu.matmul %convert_element_type3A, %convert_element_type3A_24, %dot_general3A {dimension_numbers = #tpu.dot_dimension_numbers<[1], [0], [0], [1], [0, 0, 1, 1], [], []>, transpose_lhs_hint = false} : vector<2048x128xbf16>, vector<128x128xbf16>, vector<2048x128xf32> -> vector<2048x128xf32>
    %dot_general3A_29 = arith.constant dense<0.000000e+00> : vector<2048x128xf32>
    %dot_general3A_30 = tpu.matmul %convert_element_type3A, %convert_element_type3A_27, %dot_general3A_29 {dimension_numbers = #tpu.dot_dimension_numbers<[1], [0], [0], [1], [0, 0, 1, 1], [], []>, transpose_lhs_hint = false} : vector<2048x128xbf16>, vector<128x128xbf16>, vector<2048x128xf32> -> vector<2048x128xf32>
    %add3A_31 = arith.addf %dot_general3A_28, %dot_general3A_30 : vector<2048x128xf32>
    %dot_general3A_32 = arith.constant dense<0.000000e+00> : vector<2048x128xf32>
    %dot_general3A_33 = tpu.matmul %convert_element_type3A_23, %convert_element_type3A_24, %dot_general3A_32 {dimension_numbers = #tpu.dot_dimension_numbers<[1], [0], [0], [1], [0, 0, 1, 1], [], []>, transpose_lhs_hint = false} : vector<2048x128xbf16>, vector<128x128xbf16>, vector<2048x128xf32> -> vector<2048x128xf32>
    %add3A_34 = arith.addf %add3A_31, %dot_general3A_33 : vector<2048x128xf32>
    %get3A_35 = arith.constant 0 : index
    %get3A_36 = arith.constant 0 : index
    %get3A_37 = vector.load %arg4[%get3A_35, %get3A_36] : memref<1x128xf32, #tpu.memory_space<vmem>>, vector<1x128xf32>
    %add3A_38 = vector.broadcast %get3A_37 : vector<1x128xf32> to vector<2048x128xf32>
    %add3A_39 = arith.addf %add3A_34, %add3A_38 : vector<2048x128xf32>
    %max3A_40 = arith.constant 0.000000e+00 : f32
    %max3A_41 = vector.broadcast %max3A_40 : f32 to vector<2048x128xf32>
    %max3A_42 = arith.maximumf %add3A_39, %max3A_41 : vector<2048x128xf32>
    %get3A_43 = arith.constant 0 : index
    %get3A_44 = arith.constant 0 : index
    %get3A_45 = vector.load %arg5[%get3A_43, %get3A_44] : memref<128x64xf32, #tpu.memory_space<vmem>>, vector<128x64xf32>
    %convert_element_type3A_46 = arith.truncf %max3A_42 : vector<2048x128xf32> to vector<2048x128xbf16>
    %convert_element_type3A_47 = arith.extf %convert_element_type3A_46 : vector<2048x128xbf16> to vector<2048x128xf32>
    %sub3A_48 = arith.subf %max3A_42, %convert_element_type3A_47 : vector<2048x128xf32>
    %convert_element_type3A_49 = arith.truncf %sub3A_48 : vector<2048x128xf32> to vector<2048x128xbf16>
    %convert_element_type3A_50 = arith.truncf %get3A_45 : vector<128x64xf32> to vector<128x64xbf16>
    %convert_element_type3A_51 = arith.extf %convert_element_type3A_50 : vector<128x64xbf16> to vector<128x64xf32>
    %sub3A_52 = arith.subf %get3A_45, %convert_element_type3A_51 : vector<128x64xf32>
    %convert_element_type3A_53 = arith.truncf %sub3A_52 : vector<128x64xf32> to vector<128x64xbf16>
    %dot_general3A_54 = arith.constant dense<0.000000e+00> : vector<2048x64xf32>
    %dot_general3A_55 = tpu.matmul %convert_element_type3A_46, %convert_element_type3A_50, %dot_general3A_54 {dimension_numbers = #tpu.dot_dimension_numbers<[1], [0], [0], [1], [0, 0, 1, 1], [], []>, transpose_lhs_hint = false} : vector<2048x128xbf16>, vector<128x64xbf16>, vector<2048x64xf32> -> vector<2048x64xf32>
    %dot_general3A_56 = arith.constant dense<0.000000e+00> : vector<2048x64xf32>
    %dot_general3A_57 = tpu.matmul %convert_element_type3A_46, %convert_element_type3A_53, %dot_general3A_56 {dimension_numbers = #tpu.dot_dimension_numbers<[1], [0], [0], [1], [0, 0, 1, 1], [], []>, transpose_lhs_hint = false} : vector<2048x128xbf16>, vector<128x64xbf16>, vector<2048x64xf32> -> vector<2048x64xf32>
    %add3A_58 = arith.addf %dot_general3A_55, %dot_general3A_57 : vector<2048x64xf32>
    %dot_general3A_59 = arith.constant dense<0.000000e+00> : vector<2048x64xf32>
    %dot_general3A_60 = tpu.matmul %convert_element_type3A_49, %convert_element_type3A_50, %dot_general3A_59 {dimension_numbers = #tpu.dot_dimension_numbers<[1], [0], [0], [1], [0, 0, 1, 1], [], []>, transpose_lhs_hint = false} : vector<2048x128xbf16>, vector<128x64xbf16>, vector<2048x64xf32> -> vector<2048x64xf32>
    %add3A_61 = arith.addf %add3A_58, %dot_general3A_60 : vector<2048x64xf32>
    %get3A_62 = arith.constant 0 : index
    %get3A_63 = arith.constant 0 : index
    %get3A_64 = vector.load %arg6[%get3A_62, %get3A_63] : memref<1x64xf32, #tpu.memory_space<vmem>>, vector<1x64xf32>
    %add3A_65 = vector.broadcast %get3A_64 : vector<1x64xf32> to vector<2048x64xf32>
    %add3A_66 = arith.addf %add3A_61, %add3A_65 : vector<2048x64xf32>
    %max3A_67 = arith.constant 0.000000e+00 : f32
    %max3A_68 = vector.broadcast %max3A_67 : f32 to vector<2048x64xf32>
    %max3A_69 = arith.maximumf %add3A_66, %max3A_68 : vector<2048x64xf32>
    %get3A_70 = arith.constant 0 : index
    %get3A_71 = arith.constant 0 : index
    %get3A_72 = vector.load %arg7[%get3A_70, %get3A_71] : memref<64x8xf32, #tpu.memory_space<vmem>>, vector<64x8xf32>
    %convert_element_type3A_73 = arith.truncf %max3A_69 : vector<2048x64xf32> to vector<2048x64xbf16>
    %convert_element_type3A_74 = arith.extf %convert_element_type3A_73 : vector<2048x64xbf16> to vector<2048x64xf32>
    %sub3A_75 = arith.subf %max3A_69, %convert_element_type3A_74 : vector<2048x64xf32>
    %convert_element_type3A_76 = arith.truncf %sub3A_75 : vector<2048x64xf32> to vector<2048x64xbf16>
    %convert_element_type3A_77 = arith.truncf %get3A_72 : vector<64x8xf32> to vector<64x8xbf16>
    %convert_element_type3A_78 = arith.extf %convert_element_type3A_77 : vector<64x8xbf16> to vector<64x8xf32>
    %sub3A_79 = arith.subf %get3A_72, %convert_element_type3A_78 : vector<64x8xf32>
    %convert_element_type3A_80 = arith.truncf %sub3A_79 : vector<64x8xf32> to vector<64x8xbf16>
    %dot_general3A_81 = arith.constant dense<0.000000e+00> : vector<2048x8xf32>
    %dot_general3A_82 = tpu.matmul %convert_element_type3A_73, %convert_element_type3A_77, %dot_general3A_81 {dimension_numbers = #tpu.dot_dimension_numbers<[1], [0], [0], [1], [0, 0, 1, 1], [], []>, transpose_lhs_hint = false} : vector<2048x64xbf16>, vector<64x8xbf16>, vector<2048x8xf32> -> vector<2048x8xf32>
    %dot_general3A_83 = arith.constant dense<0.000000e+00> : vector<2048x8xf32>
    %dot_general3A_84 = tpu.matmul %convert_element_type3A_73, %convert_element_type3A_80, %dot_general3A_83 {dimension_numbers = #tpu.dot_dimension_numbers<[1], [0], [0], [1], [0, 0, 1, 1], [], []>, transpose_lhs_hint = false} : vector<2048x64xbf16>, vector<64x8xbf16>, vector<2048x8xf32> -> vector<2048x8xf32>
    %add3A_85 = arith.addf %dot_general3A_82, %dot_general3A_84 : vector<2048x8xf32>
    %dot_general3A_86 = arith.constant dense<0.000000e+00> : vector<2048x8xf32>
    %dot_general3A_87 = tpu.matmul %convert_element_type3A_76, %convert_element_type3A_77, %dot_general3A_86 {dimension_numbers = #tpu.dot_dimension_numbers<[1], [0], [0], [1], [0, 0, 1, 1], [], []>, transpose_lhs_hint = false} : vector<2048x64xbf16>, vector<64x8xbf16>, vector<2048x8xf32> -> vector<2048x8xf32>
    %add3A_88 = arith.addf %add3A_85, %dot_general3A_87 : vector<2048x8xf32>
    %get3A_89 = arith.constant 0 : index
    %get3A_90 = arith.constant 0 : index
    %get3A_91 = vector.load %arg8[%get3A_89, %get3A_90] : memref<1x8xf32, #tpu.memory_space<vmem>>, vector<1x8xf32>
    %add3A_92 = vector.broadcast %get3A_91 : vector<1x8xf32> to vector<2048x8xf32>
    %add3A_93 = arith.addf %add3A_88, %add3A_92 : vector<2048x8xf32>
    %slice3A = vector.extract_strided_slice %add3A_93 {offsets = [0, 0], sizes = [2048, 5], strides = [1, 1]} : vector<2048x8xf32> to vector<2048x5xf32>
    %swap3A = arith.constant 0 : index
    %swap3A_94 = arith.constant 0 : index
    %swap3A_95 = vector.load %arg9[%swap3A, %swap3A_94] : memref<2048x5xf32, #tpu.memory_space<vmem>>, vector<2048x5xf32>
    tpu.vector_store %arg9[%swap3A, %swap3A_94], %slice3A {strides = array<i32>} : memref<2048x5xf32, #tpu.memory_space<vmem>>, vector<2048x5xf32>,
    return
  }
  func.func @transform_0(%arg0: i32) -> (i32, i32, i32) {
    %c0_i32 = arith.constant 0 : i32
    %c0_i32_0 = arith.constant 0 : i32
    %c0_i32_1 = arith.constant 0 : i32
    return %c0_i32, %arg0, %c0_i32_0 : i32, i32, i32
  }
  func.func @transform_1(%arg0: i32) -> (i32, i32) {
    %c0_i32 = arith.constant 0 : i32
    %c0_i32_0 = arith.constant 0 : i32
    return %c0_i32, %arg0 : i32, i32
  }
  func.func @transform_2(%arg0: i32) -> (i32, i32) {
    %c0_i32 = arith.constant 0 : i32
    %c0_i32_0 = arith.constant 0 : i32
    %c0_i32_1 = arith.constant 0 : i32
    return %c0_i32, %c0_i32_0 : i32, i32
  }
  func.func @transform_3(%arg0: i32) -> (i32, i32) {
    %c0_i32 = arith.constant 0 : i32
    %c0_i32_0 = arith.constant 0 : i32
    %c0_i32_1 = arith.constant 0 : i32
    return %c0_i32, %c0_i32_0 : i32, i32
  }
  func.func @transform_4(%arg0: i32) -> (i32, i32) {
    %c0_i32 = arith.constant 0 : i32
    %c0_i32_0 = arith.constant 0 : i32
    %c0_i32_1 = arith.constant 0 : i32
    return %c0_i32, %c0_i32_0 : i32, i32
  }
  func.func @transform_5(%arg0: i32) -> (i32, i32) {
    %c0_i32 = arith.constant 0 : i32
    %c0_i32_0 = arith.constant 0 : i32
    %c0_i32_1 = arith.constant 0 : i32
    return %c0_i32, %c0_i32_0 : i32, i32
  }
  func.func @transform_6(%arg0: i32) -> (i32, i32) {
    %c0_i32 = arith.constant 0 : i32
    %c0_i32_0 = arith.constant 0 : i32
    %c0_i32_1 = arith.constant 0 : i32
    return %c0_i32, %c0_i32_0 : i32, i32
  }
  func.func @transform_7(%arg0: i32) -> (i32, i32) {
    %c0_i32 = arith.constant 0 : i32
    %c0_i32_0 = arith.constant 0 : i32
    %c0_i32_1 = arith.constant 0 : i32
    return %c0_i32, %c0_i32_0 : i32, i32
  }
  func.func @transform_8(%arg0: i32) -> (i32, i32) {
    %c0_i32 = arith.constant 0 : i32
    %c0_i32_0 = arith.constant 0 : i32
    return %arg0, %c0_i32 : i32, i32
  }
}

</mosaic_0001>

<sc_bundles>
// kernel: kernel.4.cloned.1.call-start
scs
__scs_entry_jumppad:
0x0: {  	(pc) =	sbr.rel $0x88, $3  }
0x1: {  	(tag) =	ssettag $0x0;
	lr =	simm.s32 $0x1  }
0x2: {  	[smem:$0x3F99] =	sst lr;
	_ =	strace $0xD0000000  }
0x3: {  	_ = 	snop  }
0x4: {  	_ = 	snop  }
0x5: {  	_ = 	snop  }
0x6: {  	_ = 	snop  }
0x7: {  	_ = 	snop  }
__scs_overlays_trampoline_lowered:
0x8: {  	[smem:$0x3FA8] =	sst s0  }
0x9: {  	[smem:$0x3FA9] =	sst s1  }
0xa: {  	[smem:$0x3FAA] =	sst s2  }
0xb: {  	[smem:$0x3FAB] =	sst s3  }
0xc: {  	[smem:$0x3FAC] =	sst s4  }
0xd: {  	[smem:$0x3FAD] =	sst s5  }
0xe: {  	[smem:$0x3FAE] =	sst s6  }
0xf: {  	[smem:$0x3FAF] =	sst s7  }
0x10: {  	[smem:$0x3FB0] =	sst s8  }
0x11: {  	[smem:$0x3FB1] =	sst s9;
	s0 =	simm.s32 @!p0 $0x0  }
0x12: {  	s1 =	sld [smem:$0x3F97];
	s0 =	simm.s32 @p0 $0x1  }
0x13: {  	[smem:$0x3FB2] =	sst s0;
	s0 =	simm.s32 @!p1 $0x0  }
0x14: {  	s2 =	sld [smem:$0x3F96];
	s0 =	simm.s32 @p1 $0x1  }
0x15: {  	[smem:$0x3FB3] =	sst s0;
	s0 =	simm.s32 @!p2 $0x0  }
0x16: {  	s3 =	sld [smem:$0x3FDB];
	s0 =	simm.s32 @p2 $0x1  }
0x17: {  	s4 =	simm.s32 $0x1BF5;
	[smem:$0x3FB5] =	sst s0  }
0x18: {  	s0 =	sld [smem:$0x3F98];
	_ =	swait.ge [sflag:s4], $0x0  }
0x19: {  	s7 =	sld [smem:$0x3F99]  }
0x1a: {  	s8 =	sadd.s32 $0xFFFFE003, lr  }
0x1b: {  	s9 =	sadd.s32 $0xFFFFFEF7, lr;
	s5 =	simm.s32 $0xFFFFFFFF;
	p2 =	slt.u32 s8, $0xFFFFF086  }
0x1c: {  	p1 =	slt.u32 s9, $0xF7A;
	s5 =	simm.s32 @!p2 $0x0  }
0x1d: {  	s5 =	simm.s32 @p1 $0x1;
	p0 =	seq.s32 s7, s2  }
0x1e: {  	s7 =	smul.u32 @!p0 $0xF7A, s2;
	p2 =	seq.s32 @!p0 s5, $0x0  }
0x1f: {  	s9 =	smul.u32 $0xF7A, s1;
	s8 =	simm.s32 @!p0 $0x1BF5;
	p2 =	por !p2, p0  }
0x20: {  	[sflag:s8] =	ssyncset.s32 @!p0 $0xFFFFF086;
	s6 =	sadd.s32 @!p0 s3, s7;
	s7 =	simm.s32 @!p0 $0x108  }
0x21: {  	s3 =	sadd.s32 s3, s9;
	s6 =	sadd.s32 @!p0 $0x88, s6;
	s7 =	simm.s32 @p2 $0x1082  }
0x22: {  	[simem:s7], [sflag:s8] =	dma.local @!p0 [hbm:s6], $0xF7A  }
0x23: {  	s9 =	sor.u32 $0xD0000000, s2;
	s6 =	simm.s32 $0x108;
	_ =	swait.ge @!p0 [sflag:s8], $0x0  }
0x24: {  	s3 =	sadd.s32 $0x88, s3;
	s6 =	simm.s32 @!p1 $0x1082;
	[sflag:s4] =	ssyncset.s32 $0xFFFFF086  }
0x25: {  	[simem:s6], [sflag:s4] =	dma.local [hbm:s3], $0xF7A  }
0x26: {  	[smem:$0x3F99] =	sst s1;
	(tag) =	ssettag s2;
	_ =	strace s9  }
0x27: {  	s1 =	sld [smem:$0x3FA9]  }
0x28: {  	s2 =	sld [smem:$0x3FAA]  }
0x29: {  	s4 =	sld [smem:$0x3FAC]  }
0x2a: {  	p0 =	seq.s32 s5, $0x0;
	s5 =	sld [smem:$0x3FAD]  }
0x2b: {  	s6 =	sld [smem:$0x3FAE]  }
0x2c: {  	s7 =	sld [smem:$0x3FAF]  }
0x2d: {  	s3 =	simm.s32 $0x108;
	s8 =	sld [smem:$0x3FB0]  }
0x2e: {  	s3 =	simm.s32 @!p0 $0x1082;
	s9 =	sld [smem:$0x3FB1]  }
0x2f: {  	lr =	sadd.s32 s0, s3;
	s0 =	sld [smem:$0x3FA8]  }
0x30: {  	s3 =	sld [smem:$0x3FAB]  }
0x31: {  	[smem:$0x3FB4] =	sst s10  }
0x32: {  	s10 =	sld [smem:$0x3FB2];
	_ =	sdelay $0x3  }
0x33: {  	p0 =	seq.s32 s10, $0x1;
	s10 =	sld [smem:$0x3FB4];
	_ =	sdelay $0x3  }
0x34: {  	[smem:$0x3FB4] =	sst s10  }
0x35: {  	s10 =	sld [smem:$0x3FB3];
	_ =	sdelay $0x3  }
0x36: {  	p1 =	seq.s32 s10, $0x1;
	s10 =	sld [smem:$0x3FB4];
	_ =	sdelay $0x3  }
0x37: {  	[smem:$0x3FB4] =	sst s10  }
0x38: {  	s10 =	sld [smem:$0x3FB5]  }
0x39: {  	_ = 	snop;
	(pc) =	sbr.ind lr, $3  }
0x3a: {  	_ = 	snop  }
0x3b: {  	_ = 	snop  }
0x3c: {  	p2 =	seq.s32 s10, $0x1;
	s10 =	sld [smem:$0x3FB4]  }
0x3d: {  	_ =	shalt  }
0x3e: {  	_ =	shalt  }
0x3f: {  	_ =	shalt  }
0x40: {  	_ =	shalt  }
0x41: {  	_ =	shalt  }
0x42: {  	_ =	shalt  }
0x43: {  	_ =	shalt  }
0x44: {  	_ =	shalt  }
0x45: {  	_ =	shalt  }
0x46: {  	_ =	shalt  }
0x47: {  	_ =	shalt  }
0x48: {  	_ =	shalt  }
0x49: {  	_ =	shalt  }
0x4a: {  	_ =	shalt  }
0x4b: {  	_ =	shalt  }
0x4c: {  	_ =	shalt  }
0x4d: {  	_ =	shalt  }
0x4e: {  	_ =	shalt  }
0x4f: {  	_ =	shalt  }
0x50: {  	_ =	shalt  }
0x51: {  	_ =	shalt  }
0x52: {  	_ =	shalt  }
0x53: {  	_ =	shalt  }
0x54: {  	_ =	shalt  }
0x55: {  	_ =	shalt  }
0x56: {  	_ =	shalt  }
0x57: {  	_ =	shalt  }
0x58: {  	_ =	shalt  }
0x59: {  	_ =	shalt  }
0x5a: {  	_ =	shalt  }
0x5b: {  	_ =	shalt  }
0x5c: {  	_ =	shalt  }
0x5d: {  	_ =	shalt  }
0x5e: {  	_ =	shalt  }
0x5f: {  	_ =	shalt  }
0x60: {  	_ =	shalt  }
0x61: {  	_ =	shalt  }
0x62: {  	_ =	shalt  }
0x63: {  	_ =	shalt  }
0x64: {  	_ =	shalt  }
0x65: {  	_ =	shalt  }
0x66: {  	_ =	shalt  }
0x67: {  	_ =	shalt  }
0x68: {  	_ =	shalt  }
0x69: {  	_ =	shalt  }
0x6a: {  	_ =	shalt  }
0x6b: {  	_ =	shalt  }
0x6c: {  	_ =	shalt  }
0x6d: {  	_ =	shalt  }
0x6e: {  	_ =	shalt  }
0x6f: {  	_ =	shalt  }
0x70: {  	_ =	shalt  }
0x71: {  	_ =	shalt  }
0x72: {  	_ =	shalt  }
0x73: {  	_ =	shalt  }
0x74: {  	_ =	shalt  }
0x75: {  	_ =	shalt  }
0x76: {  	_ =	shalt  }
0x77: {  	_ =	shalt  }
0x78: {  	_ =	shalt  }
0x79: {  	_ =	shalt  }
0x7a: {  	_ =	shalt  }
0x7b: {  	_ =	shalt  }
0x7c: {  	_ =	shalt  }
0x7d: {  	_ =	shalt  }
0x7e: {  	_ =	shalt  }
0x7f: {  	_ =	shalt  }
0x80: {  	_ =	shalt  }
0x81: {  	_ =	shalt  }
0x82: {  	_ =	shalt  }
0x83: {  	_ =	shalt  }
0x84: {  	_ =	shalt  }
0x85: {  	_ =	shalt  }
0x86: {  	_ =	shalt  }
0x87: {  	_ =	shalt  }
.Lfunc_end0:
.L_simem_size_0:
called_computation_lowered:
.L_overlay_start_0:
0x88: {  	s2 =	sld [smem:$0x3FD9]  }
0x89: {  	s3 =	sld [smem:$0x3FFE];
	_ =	sdelay $0x1  }
0x8a: {  	s1 =	srdreg.scid  }
0x8b: {  	s0 =	sand.u32 $0x1, s1  }
0x8c: {  	s17 =	sshll.u32 s0, $0xA;
	s2 =	sadd.s32 s3, s2  }
0x8d: {  	s2 =	sadd.s32 s2, s17  }
0x8e: {  	[smem:$0x3FC0] =	sst s2  }
0x8f: {  	_ = 	snop  }
0x90: {  	s2 =	sld [smem:$0x3FC9]  }
0x91: {  	s18 =	sld [smem:$0x3FC8]  }
0x92: {  	s4 =	sld [smem:$0x3FD0];
	(tm) =	ssettm $0x1  }
0x93: {  	s5 =	sld [smem:$0x3FFB];
	_ =	sdelay $0x3  }
0x94: {  	_ =	strace s5  }
0x95: {  	s5 =	sld [smem:$0x3FFC];
	_ =	sdelay $0x3  }
0x96: {  	_ =	strace s5  }
0x97: {  	s5 =	sld [smem:$0x3FFD];
	_ =	sdelay $0x3  }
0x98: {  	_ =	strace s5  }
0x99: {  	_ =	strace $0x8FFFFFFF  }
0x9a: {  	s19 =	sld [smem:$0x3FDB];
	_ =	sdelay $0x1  }
0x9b: {  	s6 =	simm.s32 $_scs_section_size  }
0x9c: {  	s7 =	simm.s32 $_size__tile_overlayer_lowered;
	s8 =	simm.s32 $_tile_overlayer_lowered  }
0x9d: {  	s22 =	simm.s32 $0x1BFF;
	s21 =	sshll.u32 s8, $0x1;
	s5 =	sadd.s32 s6, s19  }
0x9e: {  	s9 =	simm.s32 $0x0;
	s20 =	sshll.u32 s7, $0x1;
	s7 =	sadd.s32 s21, s5  }
0x9f: {  	[timem:s9], [sflag:s22] =	dma.local [hbm:s7], s20  }
0xa0: {  	_ =	swait.ge [sflag:s22], s20  }
0xa1: {  	s6 =	ssub.s32 $0x0, s20;
	[sflag:s22] =	ssyncset.done $0x0  }
0xa2: {  	[sflag:s22] =	ssyncadd.s32 s6;
	_ =	sdelay $0x1  }
0xa3: {  	s23 =	simm.s32 $0x1B8B  }
0xa4: {  	_ =	swait.ge [sflag:s23], $0x1  }
0xa5: {  	[sflag:s23] =	ssyncset.done $0x0  }
0xa6: {  	s25 =	simm.s32 $0x1B8E;
	s24 =	sld [smem:$0x3FFE];
	[sflag:s23] =	ssyncadd.s32 $0xFFFFFFFF  }
0xa7: {  	s26 =	simm.s32 $execute0_lowered;
	[smem:$0x3FD2] =	sst s25  }
0xa8: {  	s7 =	sshll.u32 s26, $0x1;
	_ =	strace $0x80000046;
	[dreg:$0x1] =	wrdreg $0xFFFFFFFF  }
0xa9: {  	s28 =	simm.s32 $_size_execute0_lowered;
	s5 =	sadd.s32 s5, s7;
	[dreg:$0x0] =	wrdreg $0x0  }
0xaa: {  	s7 =	sshll.u32 s28, $0x1;
	[dreg:$0x2] =	wrdreg s5  }
0xab: {  	[dreg:$0x3] =	wrdreg s7  }
0xac: {  	[dreg:$0x4] =	wrdreg $0xC0  }
0xad: {  	_ =	task [dreg:s9], $0x5FFFF  }
0xae: {  	[dreg:$0x1] =	wrdreg $0xFFFFFFFF  }
0xaf: {  	[dreg:$0x0] =	wrdreg $0x60  }
0xb0: {  	[dreg:$0x2] =	wrdreg s2  }
0xb1: {  	[dreg:$0x3] =	wrdreg s18  }
0xb2: {  	[dreg:$0x4] =	wrdreg s24  }
0xb3: {  	[dreg:$0x5] =	wrdreg s4  }
0xb4: {  	[dreg:$0x6] =	wrdreg $0xAB000  }
0xb5: {  	[dreg:$0x7] =	wrdreg $0x1EB000  }
0xb6: {  	[dreg:$0x8] =	wrdreg $0x9  }
0xb7: {  	_ =	task.clear_ibuf [dreg:s9], $0x9FFFF;
	_ =	strace $0x90000046  }
0xb8: {  	s29 =	simm.s32 $0x9;
	_ =	strace $0x80000048  }
0xb9: {  	_ =	swait.ge [sflag:s29], $0x1  }
0xba: {  	[sflag:s29] =	ssyncadd.s32 $0xFFFFFFFF  }
0xbb: {  	_ =	strace $0x90000048  }
0xbc: {  	_ =	sfence  }
0xbd: {  	s30 =	sld [smem:$0x0];
	_ =	sdelay $0x2  }
0xbe: {  	s31 =	sshll.u32 s1, $0xD;
	s1 =	sshrl.u32 s1, $0x2  }
0xbf: {  	s3 =	sand.u32 $0x4000, s31;
	s1 =	sadd.s32 s1, s30  }
0xc0: {  	s0 =	sor.u32 s3, s0;
	s1 =	sshll.u32 s1, $0x11  }
0xc1: {  	s0 =	sor.u32 s1, s0  }
0xc2: {  	s0 =	sadd.s32 $0x8F2B, s0  }
0xc3: {  	[sflag:s0] =	ssyncadd.remote.s32 $0x1  }
0xc4: {  	_ =	sfence.sel $0xFFFF  }
0xc5: {  	[dreg:$0x0] =	wrdreg $0xFFFFFFFF;
	(pc) =	sbr.abs _section_cstart, $3  }
0xc6: {  	[dreg:$0x1] =	wrdreg $0xFFFFFFFF  }
0xc7: {  	_ =	task.clear_ibuf [dreg:s9], $0x2FFFF;
	_ =	strace $0x9FFFFFFF  }
0xc8: {  	(tm) =	ssettm $0x7FFFFFFF  }
0xc9: {  	_ =	shalt  }
tec
execute0_lowered:
.L_overlay_start_1:
0x0: {  	(tag) =	ssettag $0x1  }
0x1: {  	s0 =	rddreg [dreg:$0x0]  }
0x2: {  	s1 =	rddreg [dreg:$0x1]  }
0x3: {  	s2 =	rddreg [dreg:$0x2]  }
0x4: {  	s13 =	rddreg [dreg:$0x3]  }
0x5: {  	s3 =	rddreg [dreg:$0x4]  }
0x6: {  	s5 =	srdreg.scid;
	s10 =	stileid.u32  }
0x7: {  	s4 =	rddreg [dreg:$0x5];
	s7 =	smul.u32 $0x14000, s10  }
0x8: {  	s21 =	simm.s32 $0x80;
	s22 =	simm.s32 $0x6800;
	s8 =	smul.u32 $0x50000, s10  }
0x9: {  	s29 =	simm.s32 $0x3;
	s20 =	simm.s32 $0x0;
	s15 =	smul.u32 $0xA00, s10  }
0xa: {  	s11 =	sand.u32 $0x1, s5;
	s5 =	simm.s32 $0x0;
	s12 =	smul.u32 $0x500, s10  }
0xb: {  	s6 =	smul.u32 $0x140000, s11;
	[smem:$0x7FF] =	sst s5;
	s23 =	ssub.s32 $0x2, s11  }
0xc: {  	s25 =	sshll.u32 s11, $0x4;
	s16 =	smul.u32 $0xA000, s11;
	s19 =	sshll.u32 s11, $0x7  }
0xd: {  	_ =	strace $0x80000047;
	s9 =	sshrl.u32 s23, $0x1;
	s24 =	sshrl.u32 s8, $0x2  }
0xe: {  	s18 =	sor.u32 s10, s25;
	s17 =	sshrl.u32 s15, $0x2;
	s30 =	sor.u32 s19, s12  }
0xf: {  	s19 =	simm.s32 $0x4;
	s25 =	simm.s32 $0x2;
	s6 =	sadd.s32 s7, s6  }
0x10: {  	s14 =	ssub.s32 s23, s9;
	s11 =	sadd.s32 s17, s4;
	s16 =	sadd.s32 s16, s1  }
0x11: {  	s31 =	sshrl.u32 s30, $0x3;
	s17 =	sadd.s32 $0x13610, s1;
	p0 =	seq.s32 s18, $0x1F  }
0x12: {  	s18 =	simm.s32 $0x2800;
	s23 =	simm.s32 $0x1400;
	s1 =	simm.s32 $0x2780  }
0x13: {  	s6 =	sshrl.u32 s6, $0x3;
	s16 =	sadd.s32 s15, s16;
	s13 =	sadd.s32 s13, s31  }
.Ltmp0:
0x14: {  	s14 =	smax.u32 s14, $0x1;
	s2 =	sadd.s32 s6, s2;
	(pc) =	sbr.rel .LBB2_1-.Ltmp0, $4  }
0x15: {  	s6 =	sadd.s32 s24, s3;
	s15 =	sadd.s32 $0x10, s16;
	s16 =	sadd.s32 $0x510, s16  }
0x16: {  	s24 =	simm.s32 $0xAA80;
	s26 =	sadd.s32 $0x4000, s6;
	s28 =	sadd.s32 $0x8000, s6  }
0x17: {  	s9 =	sadd.s32 $0xC000, s6;
	s10 =	sadd.s32 $0x10000, s6;
	[dreg:$0x7] =	wrdreg s26  }
0x18: {  	v0 =	vimm.f32 $0.0e+00;
	v1 =	vimm.f32 $1.000000000e+00;
	s12 =	sadd.s32 $0x1800, s2;
	[dreg:$0x8] =	wrdreg s28;
	s26 =	simm.s32 $0x1  }
.LBB2_20:
0x19: {  	[sflag:s29] =	ssyncadd.s32 $0xFFFFFF80  }
.LBB2_26:
0x1a: {  	s2 =	stileid.u32  }
0x1b: {  	s2 =	sshll.u32 s2, $0x6  }
0x1c: {  	[bflag:$0x0] =	sbarrier.arrive $0xFFFF;
	s7 =	sshrl.u32 s6, $0x3;
	s2 =	sor.u32 $0x1C04, s2  }
0x1d: {  	[hbm:s12], [sflag:s2] =	dma.local [spmem:s7], $0x2800  }
0x1e: {  	s31 =	sshrl.u32 s11, $0x3;
	s20 =	sadd.s32 $0x1, s20;
	_ =	swait.ge [sflag:s19], $0x2800  }
0x1f: {  	s8 =	simm.s32 $0x20;
	p1 =	sne.s32 s20, s14;
	[sflag:s19] =	ssyncset.done $0x0  }
.Ltmp1:
0x20: {  	s28 =	simm.s32 $0x10;
	[sflag:s19] =	ssyncadd.s32 $0xFFFFD800;
	(pc) =	sbr.rel @!p1 .LBB2_27-.Ltmp1, $4  }
0x21: {  	[hbm:s13@s8], [sflag:s2] =	dma.strided [spmem:s31@s28], $0x50, s26, $0x10   }
0x22: {  	_ =	swait.ge [sflag:s19], $0x50  }
0x23: {  	[sflag:s19] =	ssyncset.done $0x0  }
0x24: {  	[sflag:s19] =	ssyncadd.s32 $0xFFFFFFB0  }
.LBB2_1:
0x25: {  	s2 =	sand.u32 $0xFE00, s5  }
0x26: {  	s28 =	sand.u32 $0x70, s5;
	s30 =	sshrl.u32 s2, $0x2  }
0x27: {  	s2 =	simm.s32 $0x40;
	s30 =	sor.u32 s28, s30;
	s28 =	simm.s32 $0x0  }
.LBB2_2:
0x28: {  	p1 =	sne.s32 s2, $0xFFC0  }
0x29: {  	[tilespmem:s30+$0x2800] =	vst v0;
	s28 =	sadd.s32 $0x10, s28;
	s30 =	smov.u32 s2;
	s2 =	sadd.s32 $0x40, s2  }
.Ltmp2:
0x2a: {  	(pc) =	sbr.rel @p1 .LBB2_2-.Ltmp2, $4  }
0x2b: {  	_ = 	snop  }
0x2c: {  	s30 =	sand.u32 $0xFE00, s30  }
0x2d: {  	s31 =	sand.u32 $0x70, s28;
	s30 =	sshrl.u32 s30, $0x2  }
0x2e: {  	s30 =	sor.u32 s31, s30  }
0x2f: {  	[tilespmem:s30+$0x2800] =	vst v0  }
0x30: {  	[tilespmem:$0xA800] =	vst v0  }
0x31: {  	[tilespmem:$0xA810] =	vst v0  }
0x32: {  	[tilespmem:$0xA820] =	vst v0  }
0x33: {  	[tilespmem:$0xA830] =	vst v0  }
0x34: {  	[tilespmem:$0xA840] =	vst v0  }
0x35: {  	[tilespmem:$0xA850] =	vst v0  }
0x36: {  	[tilespmem:$0xA860] =	vst v0  }
0x37: {  	[tilespmem:$0xA870] =	vst v0  }
0x38: {  	[tilespmem:$0xA880] =	vst v0  }
0x39: {  	[tilespmem:$0xA890] =	vst v0  }
0x3a: {  	[tilespmem:$0xA8A0] =	vst v0  }
0x3b: {  	[tilespmem:$0xA8B0] =	vst v0  }
0x3c: {  	[tilespmem:$0xA8C0] =	vst v0  }
0x3d: {  	[tilespmem:$0xA8D0] =	vst v0  }
0x3e: {  	[tilespmem:$0xA8E0] =	vst v0  }
0x3f: {  	[tilespmem:$0xA8F0] =	vst v0  }
0x40: {  	[tilespmem:$0xA900] =	vst v0  }
0x41: {  	[tilespmem:$0xA910] =	vst v0  }
0x42: {  	[tilespmem:$0xA920] =	vst v0  }
0x43: {  	[tilespmem:$0xA930] =	vst v0  }
0x44: {  	[tilespmem:$0xA940] =	vst v0  }
0x45: {  	[tilespmem:$0xA950] =	vst v0  }
0x46: {  	[tilespmem:$0xA960] =	vst v0  }
0x47: {  	[tilespmem:$0xA970] =	vst v0  }
0x48: {  	[tilespmem:$0xA980] =	vst v0  }
0x49: {  	[tilespmem:$0xA990] =	vst v0  }
0x4a: {  	[tilespmem:$0xA9A0] =	vst v0  }
0x4b: {  	[tilespmem:$0xA9B0] =	vst v0  }
0x4c: {  	[tilespmem:$0xA9C0] =	vst v0  }
0x4d: {  	[tilespmem:$0xA9D0] =	vst v0  }
0x4e: {  	[tilespmem:$0xA9E0] =	vst v0  }
0x4f: {  	[tilespmem:$0xA9F0] =	vst v0  }
0x50: {  	[tilespmem:$0xAA00] =	vst v0  }
0x51: {  	[tilespmem:$0xAA10] =	vst v0  }
0x52: {  	[tilespmem:$0xAA20] =	vst v0  }
0x53: {  	[tilespmem:$0xAA30] =	vst v0  }
0x54: {  	[tilespmem:$0xAA40] =	vst v0  }
0x55: {  	[tilespmem:$0xAA50] =	vst v0  }
0x56: {  	[tilespmem:$0xAA60] =	vst v0  }
0x57: {  	[tilespmem:$0xAA70] =	vst v0  }
0x58: {  	[tilespmem:$0xAA80] =	vst v1  }
0x59: {  	[tilespmem:$0xAA90] =	vst v1  }
0x5a: {  	[tilespmem:$0xAAA0] =	vst v1  }
0x5b: {  	[tilespmem:$0xAAB0] =	vst v1  }
0x5c: {  	[tilespmem:$0xAAC0] =	vst v1  }
0x5d: {  	[tilespmem:$0xAAD0] =	vst v1  }
0x5e: {  	[tilespmem:$0xAAE0] =	vst v1  }
0x5f: {  	[tilespmem:$0xAAF0] =	vst v1  }
0x60: {  	[spmem:s6] =	stream.linear.scatter [tilespmem:s18], [sflag:$0x4], $0x4000, $0x38;
	[tilespmem:$0x1ED80] =	vst v63  }
0x61: {  	_ =	swait.ge [sflag:s19], $0x4000  }
0x62: {  	[sflag:s19] =	ssyncset.done $0x0  }
0x63: {  	s2 =	rddreg [dreg:$0x7];
	[sflag:s19] =	ssyncadd.s32 $0xFFFFC000  }
0x64: {  	[spmem:s2] =	stream.linear.scatter [tilespmem:s18], [sflag:$0x4], $0x4000, $0x38;
	[tilespmem:$0x1ED80] =	vst v63  }
0x65: {  	_ =	swait.ge [sflag:s19], $0x4000  }
0x66: {  	[sflag:s19] =	ssyncset.done $0x0  }
0x67: {  	s30 =	rddreg [dreg:$0x8];
	[sflag:s19] =	ssyncadd.s32 $0xFFFFC000  }
0x68: {  	[spmem:s30] =	stream.linear.scatter [tilespmem:s18], [sflag:$0x4], $0x4000, $0x38;
	[tilespmem:$0x1ED80] =	vst v63  }
0x69: {  	_ =	swait.ge [sflag:s19], $0x4000  }
0x6a: {  	[sflag:s19] =	ssyncset.done $0x0  }
0x6b: {  	[sflag:s19] =	ssyncadd.s32 $0xFFFFC000  }
0x6c: {  	[spmem:s9] =	stream.linear.scatter [tilespmem:s18], [sflag:$0x4], $0x4000, $0x38;
	[tilespmem:$0x1ED80] =	vst v63  }
0x6d: {  	_ =	swait.ge [sflag:s19], $0x4000  }
0x6e: {  	[sflag:s19] =	ssyncset.done $0x0  }
0x6f: {  	[sflag:s19] =	ssyncadd.s32 $0xFFFFC000  }
0x70: {  	[spmem:s10] =	stream.linear.scatter [tilespmem:s18], [sflag:$0x4], $0x4000, $0x38;
	[tilespmem:$0x1ED80] =	vst v63  }
0x71: {  	_ =	swait.ge [sflag:s19], $0x4000  }
0x72: {  	[sflag:s19] =	ssyncset.done $0x0  }
0x73: {  	s31 =	simm.s32 $0xA800;
	[sflag:s19] =	ssyncadd.s32 $0xFFFFC000  }
0x74: {  	[spmem:s11] =	stream.linear.scatter [tilespmem:s31], [sflag:$0x4], $0x280, $0x38;
	[tilespmem:$0x1ED80] =	vst v63  }
.Ltmp3:
0x75: {  	_ =	swait.ge [sflag:s19], $0x280;
	(pc) =	sbr.rel @!p0 .LBB2_4-.Ltmp3, $4  }
0x76: {  	[sflag:s19] =	ssyncset.done $0x0  }
0x77: {  	[sflag:s19] =	ssyncadd.s32 $0xFFFFFD80  }
0x78: {  	[bflag:$0x0] =	sbarrier.arrive $0xFFFF  }
0x79: {  	s2 =	simm.s32 $0x0  }
0x7a: {  	s7 =	sshra.s32 s2, $0x2;
	s8 =	sadd.s32 $0xFFFFFFF0, s17  }
0x7b: {  	[tilespmem:s7], [sflag:$0x1] =	stream.linear.gather [hbm4b:s8+s5], $0x80, $0x38;
	[tilespmem:$0x1ED80] =	vst v63  }
0x7c: {  	s2 =	sadd.s32 $0x200, s2;
	s28 =	smov.u32 s17;
	s7 =	sadd.s32 $0x1400, s7  }
0x7d: {  	[tilespmem:s7], [sflag:$0x1] =	stream.linear.gather [hbm4b:s17+s5], $0x80, $0x38;
	[tilespmem:$0x1ED80] =	vst v63  }
.LBB2_22:
0x7e: {  	p1 =	sne.s32 s2, $0x2600  }
.Ltmp4:
0x7f: {  	s7 =	sshra.s32 s2, $0x2;
	s28 =	sadd.s32 $0x20, s28;
	(pc) =	sbr.rel @p1 .LBB2_22-.Ltmp4, $4  }
0x80: {  	s2 =	sadd.s32 $0x200, s2;
	s8 =	sadd.s32 $0xFFFFFFF0, s28  }
0x81: {  	[tilespmem:s7], [sflag:$0x1] =	stream.linear.gather [hbm4b:s8+s5], $0x80, $0x38;
	[tilespmem:$0x1ED80] =	vst v63  }
0x82: {  	s7 =	sadd.s32 $0x1400, s7  }
0x83: {  	[tilespmem:s7], [sflag:$0x1] =	stream.linear.gather [hbm4b:s28+s5], $0x80, $0x38;
	[tilespmem:$0x1ED80] =	vst v63  }
0x84: {  	s28 =	simm.s32 $0x1  }
0x85: {  	_ =	swait.ge [sflag:s28], $0x80  }
0x86: {  	[sflag:s28] =	ssyncset.done $0x0  }
0x87: {  	[sflag:s28] =	ssyncadd.s32 $0xFFFFFF80  }
0x88: {  	_ =	swait.ge [sflag:s28], $0x80  }
0x89: {  	[sflag:s28] =	ssyncset.done $0x0  }
0x8a: {  	[sflag:s28] =	ssyncadd.s32 $0xFFFFFF80  }
0x8b: {  	_ =	swait.ge [sflag:s28], $0x80  }
0x8c: {  	[sflag:s28] =	ssyncset.done $0x0  }
0x8d: {  	[sflag:s28] =	ssyncadd.s32 $0xFFFFFF80  }
0x8e: {  	_ =	swait.ge [sflag:s28], $0x80  }
0x8f: {  	[sflag:s28] =	ssyncset.done $0x0  }
0x90: {  	[sflag:s28] =	ssyncadd.s32 $0xFFFFFF80  }
0x91: {  	_ =	swait.ge [sflag:s28], $0x80  }
0x92: {  	[sflag:s28] =	ssyncset.done $0x0  }
0x93: {  	[sflag:s28] =	ssyncadd.s32 $0xFFFFFF80  }
0x94: {  	_ =	swait.ge [sflag:s28], $0x80  }
0x95: {  	[sflag:s28] =	ssyncset.done $0x0  }
0x96: {  	[sflag:s28] =	ssyncadd.s32 $0xFFFFFF80  }
0x97: {  	_ =	swait.ge [sflag:s28], $0x80  }
0x98: {  	[sflag:s28] =	ssyncset.done $0x0  }
0x99: {  	[sflag:s28] =	ssyncadd.s32 $0xFFFFFF80  }
0x9a: {  	_ =	swait.ge [sflag:s28], $0x80  }
0x9b: {  	[sflag:s28] =	ssyncset.done $0x0  }
0x9c: {  	[sflag:s28] =	ssyncadd.s32 $0xFFFFFF80  }
0x9d: {  	_ =	swait.ge [sflag:s28], $0x80  }
0x9e: {  	[sflag:s28] =	ssyncset.done $0x0  }
0x9f: {  	[sflag:s28] =	ssyncadd.s32 $0xFFFFFF80  }
0xa0: {  	_ =	swait.ge [sflag:s28], $0x80  }
0xa1: {  	[sflag:s28] =	ssyncset.done $0x0  }
0xa2: {  	[sflag:s28] =	ssyncadd.s32 $0xFFFFFF80  }
0xa3: {  	_ =	swait.ge [sflag:s28], $0x80  }
0xa4: {  	[sflag:s28] =	ssyncset.done $0x0  }
0xa5: {  	[sflag:s28] =	ssyncadd.s32 $0xFFFFFF80  }
0xa6: {  	_ =	swait.ge [sflag:s28], $0x80  }
0xa7: {  	[sflag:s28] =	ssyncset.done $0x0  }
0xa8: {  	[sflag:s28] =	ssyncadd.s32 $0xFFFFFF80  }
0xa9: {  	_ =	swait.ge [sflag:s28], $0x80  }
0xaa: {  	[sflag:s28] =	ssyncset.done $0x0  }
0xab: {  	[sflag:s28] =	ssyncadd.s32 $0xFFFFFF80  }
0xac: {  	_ =	swait.ge [sflag:s28], $0x80  }
0xad: {  	[sflag:s28] =	ssyncset.done $0x0  }
0xae: {  	[sflag:s28] =	ssyncadd.s32 $0xFFFFFF80  }
0xaf: {  	_ =	swait.ge [sflag:s28], $0x80  }
0xb0: {  	[sflag:s28] =	ssyncset.done $0x0  }
0xb1: {  	[sflag:s28] =	ssyncadd.s32 $0xFFFFFF80  }
0xb2: {  	_ =	swait.ge [sflag:s28], $0x80  }
0xb3: {  	[sflag:s28] =	ssyncset.done $0x0  }
0xb4: {  	[sflag:s28] =	ssyncadd.s32 $0xFFFFFF80  }
0xb5: {  	_ =	swait.ge [sflag:s28], $0x80  }
0xb6: {  	[sflag:s28] =	ssyncset.done $0x0  }
0xb7: {  	[sflag:s28] =	ssyncadd.s32 $0xFFFFFF80  }
0xb8: {  	_ =	swait.ge [sflag:s28], $0x80  }
0xb9: {  	[sflag:s28] =	ssyncset.done $0x0  }
0xba: {  	[sflag:s28] =	ssyncadd.s32 $0xFFFFFF80  }
0xbb: {  	_ =	swait.ge [sflag:s28], $0x80  }
0xbc: {  	[sflag:s28] =	ssyncset.done $0x0  }
0xbd: {  	[sflag:s28] =	ssyncadd.s32 $0xFFFFFF80  }
0xbe: {  	_ =	swait.ge [sflag:s28], $0x80  }
0xbf: {  	[sflag:s28] =	ssyncset.done $0x0  }
0xc0: {  	[sflag:s28] =	ssyncadd.s32 $0xFFFFFF80  }
0xc1: {  	_ =	swait.ge [sflag:s28], $0x80  }
0xc2: {  	[sflag:s28] =	ssyncset.done $0x0  }
0xc3: {  	[sflag:s28] =	ssyncadd.s32 $0xFFFFFF80  }
0xc4: {  	_ =	swait.ge [sflag:s28], $0x80  }
0xc5: {  	[sflag:s28] =	ssyncset.done $0x0  }
0xc6: {  	[sflag:s28] =	ssyncadd.s32 $0xFFFFFF80  }
0xc7: {  	_ =	swait.ge [sflag:s28], $0x80  }
0xc8: {  	[sflag:s28] =	ssyncset.done $0x0  }
0xc9: {  	[sflag:s28] =	ssyncadd.s32 $0xFFFFFF80  }
0xca: {  	_ =	swait.ge [sflag:s28], $0x80  }
0xcb: {  	[sflag:s28] =	ssyncset.done $0x0  }
0xcc: {  	[sflag:s28] =	ssyncadd.s32 $0xFFFFFF80  }
0xcd: {  	_ =	swait.ge [sflag:s28], $0x80  }
0xce: {  	[sflag:s28] =	ssyncset.done $0x0  }
0xcf: {  	[sflag:s28] =	ssyncadd.s32 $0xFFFFFF80  }
0xd0: {  	_ =	swait.ge [sflag:s28], $0x80  }
0xd1: {  	[sflag:s28] =	ssyncset.done $0x0  }
0xd2: {  	[sflag:s28] =	ssyncadd.s32 $0xFFFFFF80  }
0xd3: {  	_ =	swait.ge [sflag:s28], $0x80  }
0xd4: {  	[sflag:s28] =	ssyncset.done $0x0  }
0xd5: {  	[sflag:s28] =	ssyncadd.s32 $0xFFFFFF80  }
0xd6: {  	_ =	swait.ge [sflag:s28], $0x80  }
0xd7: {  	[sflag:s28] =	ssyncset.done $0x0  }
0xd8: {  	[sflag:s28] =	ssyncadd.s32 $0xFFFFFF80  }
0xd9: {  	_ =	swait.ge [sflag:s28], $0x80  }
0xda: {  	[sflag:s28] =	ssyncset.done $0x0  }
0xdb: {  	[sflag:s28] =	ssyncadd.s32 $0xFFFFFF80  }
0xdc: {  	_ =	swait.ge [sflag:s28], $0x80  }
0xdd: {  	[sflag:s28] =	ssyncset.done $0x0  }
0xde: {  	[sflag:s28] =	ssyncadd.s32 $0xFFFFFF80  }
0xdf: {  	_ =	swait.ge [sflag:s28], $0x80  }
0xe0: {  	[sflag:s28] =	ssyncset.done $0x0  }
0xe1: {  	[sflag:s28] =	ssyncadd.s32 $0xFFFFFF80  }
0xe2: {  	_ =	swait.ge [sflag:s28], $0x80  }
0xe3: {  	[sflag:s28] =	ssyncset.done $0x0  }
0xe4: {  	[sflag:s28] =	ssyncadd.s32 $0xFFFFFF80  }
0xe5: {  	_ =	swait.ge [sflag:s28], $0x80  }
0xe6: {  	[sflag:s28] =	ssyncset.done $0x0  }
0xe7: {  	[sflag:s28] =	ssyncadd.s32 $0xFFFFFF80  }
0xe8: {  	_ =	swait.ge [sflag:s28], $0x80  }
0xe9: {  	[sflag:s28] =	ssyncset.done $0x0  }
0xea: {  	[sflag:s28] =	ssyncadd.s32 $0xFFFFFF80  }
0xeb: {  	_ =	swait.ge [sflag:s28], $0x80  }
0xec: {  	[sflag:s28] =	ssyncset.done $0x0  }
0xed: {  	[sflag:s28] =	ssyncadd.s32 $0xFFFFFF80  }
0xee: {  	_ =	swait.ge [sflag:s28], $0x80  }
0xef: {  	[sflag:s28] =	ssyncset.done $0x0  }
0xf0: {  	[sflag:s28] =	ssyncadd.s32 $0xFFFFFF80  }
0xf1: {  	_ =	swait.ge [sflag:s28], $0x80  }
0xf2: {  	[sflag:s28] =	ssyncset.done $0x0  }
0xf3: {  	[sflag:s28] =	ssyncadd.s32 $0xFFFFFF80  }
0xf4: {  	_ =	swait.ge [sflag:s28], $0x80  }
0xf5: {  	[sflag:s28] =	ssyncset.done $0x0  }
0xf6: {  	[sflag:s28] =	ssyncadd.s32 $0xFFFFFF80  }
0xf7: {  	_ =	swait.ge [sflag:s28], $0x80  }
0xf8: {  	[sflag:s28] =	ssyncset.done $0x0  }
0xf9: {  	[sflag:s28] =	ssyncadd.s32 $0xFFFFFF80  }
0xfa: {  	_ =	swait.ge [sflag:s28], $0x80  }
0xfb: {  	[sflag:s28] =	ssyncset.done $0x0  }
0xfc: {  	[sflag:s28] =	ssyncadd.s32 $0xFFFFFF80  }
0xfd: {  	[tilespmem:s18], [sflag:$0x1] =	stream.indirect.gather [hbm4b:s0+s21], $0x80, s5, s21, $0xb8;
	[tilespmem:$0x1ED80] =	vst v63  }
0xfe: {  	_ = 	snop  }
0xff: {  	[tilespmem:s22], [sflag:$0x1] =	stream.indirect.gather [hbm4b:s0+s21], $0x80, s21, s21, $0xb8;
	[tilespmem:$0x1ED80] =	vst v63  }
0x100: {  	_ =	swait.ge [sflag:s28], $0x4000  }
0x101: {  	[sflag:s28] =	ssyncset.done $0x0  }
0x102: {  	[sflag:s28] =	ssyncadd.s32 $0xFFFFC000  }
0x103: {  	[spmem:s3] =	stream.indirect.scatter.add.f32 [tilespmem:s18], [sflag:$0x2], $0x80, s23, s21, $0xb8;
	[tilespmem:$0x1ED80] =	vst v63  }
0x104: {  	_ = 	snop  }
0x105: {  	[spmem:s4] =	stream.indirect.scatter.add.f32 [tilespmem:s24], [sflag:$0x3], $0x1, s23, s21, $0xb8;
	[tilespmem:$0x1ED80] =	vst v63  }
0x106: {  	s2 =	simm.s32 $0x4000;
	_ =	swait.ge [sflag:s25], $0x4000  }
0x107: {  	s7 =	sand.u32 $0x4000, s2;
	[sflag:s25] =	ssyncset.done $0x0  }
0x108: {  	s2 =	simm.s32 $0x100;
	s8 =	sxor.u32 $0x6800, s7;
	[sflag:s25] =	ssyncadd.s32 $0xFFFFC000  }
0x109: {  	[tilespmem:s8], [sflag:$0x1] =	stream.indirect.gather [hbm4b:s0+s21], $0x80, s2, s21, $0xb8;
	[tilespmem:$0x1ED80] =	vst v63  }
0x10a: {  	s30 =	simm.s32 $0x1500;
	_ =	swait.ge [sflag:s26], $0x4000  }
0x10b: {  	s31 =	simm.s32 $0x180;
	s7 =	sor.u32 $0x2800, s7;
	[sflag:s26] =	ssyncset.done $0x0  }
0x10c: {  	s28 =	simm.s32 $0x2;
	s2 =	simm.s32 $0x1480;
	[sflag:s26] =	ssyncadd.s32 $0xFFFFC000  }
0x10d: {  	[spmem:s3] =	stream.indirect.scatter.add.f32 [tilespmem:s7], [sflag:$0x2], $0x80, s2, s21, $0xb8;
	[tilespmem:$0x1ED80] =	vst v63  }
.LBB2_24:
0x10e: {  	[spmem:s4] =	stream.indirect.scatter.add.f32 [tilespmem:s24], [sflag:$0x3], $0x1, s2, s21, $0xb8;
	[tilespmem:$0x1ED80] =	vst v63  }
0x10f: {  	s2 =	sshll.u32 s28, $0xE;
	p1 =	sne.s32 s28, $0x12;
	_ =	swait.ge [sflag:s25], $0x4000  }
0x110: {  	s28 =	sadd.s32 $0x1, s28;
	s7 =	sand.u32 $0x4000, s2;
	[sflag:s25] =	ssyncset.done $0x0  }
0x111: {  	s2 =	smov.u32 s30;
	s8 =	sxor.u32 $0x6800, s7;
	[sflag:s25] =	ssyncadd.s32 $0xFFFFC000  }
0x112: {  	[tilespmem:s8], [sflag:$0x1] =	stream.indirect.gather [hbm4b:s0+s21], $0x80, s31, s21, $0xb8;
	[tilespmem:$0x1ED80] =	vst v63  }
.Ltmp5:
0x113: {  	_ =	swait.ge [sflag:s26], $0x4000;
	(pc) =	sbr.rel @p1 .LBB2_24-.Ltmp5, $4  }
0x114: {  	[sflag:s26] =	ssyncset.done $0x0  }
0x115: {  	s7 =	sor.u32 $0x2800, s7;
	[sflag:s26] =	ssyncadd.s32 $0xFFFFC000  }
0x116: {  	[spmem:s3] =	stream.indirect.scatter.add.f32 [tilespmem:s7], [sflag:$0x2], $0x80, s30, s21, $0xb8;
	[tilespmem:$0x1ED80] =	vst v63  }
0x117: {  	s31 =	sadd.s32 $0x80, s31;
	s30 =	sadd.s32 $0x80, s30  }
0x118: {  	[spmem:s4] =	stream.indirect.scatter.add.f32 [tilespmem:s24], [sflag:$0x3], $0x1, s2, s21, $0xb8;
	[tilespmem:$0x1ED80] =	vst v63  }
0x119: {  	_ =	swait.ge [sflag:s25], $0x4000  }
0x11a: {  	[sflag:s25] =	ssyncset.done $0x0  }
0x11b: {  	[sflag:s25] =	ssyncadd.s32 $0xFFFFC000  }
0x11c: {  	_ =	swait.ge [sflag:s26], $0x4000  }
0x11d: {  	[sflag:s26] =	ssyncset.done $0x0  }
0x11e: {  	s31 =	simm.s32 $0x1D80;
	[sflag:s26] =	ssyncadd.s32 $0xFFFFC000  }
0x11f: {  	[spmem:s3] =	stream.indirect.scatter.add.f32 [tilespmem:s22], [sflag:$0x2], $0x80, s31, s21, $0xb8;
	[tilespmem:$0x1ED80] =	vst v63  }
0x120: {  	_ = 	snop  }
0x121: {  	[spmem:s4] =	stream.indirect.scatter.add.f32 [tilespmem:s24], [sflag:$0x3], $0x1, s31, s21, $0xb8;
	[tilespmem:$0x1ED80] =	vst v63  }
0x122: {  	_ =	swait.ge [sflag:s25], $0x4000  }
0x123: {  	[sflag:s25] =	ssyncset.done $0x0  }
0x124: {  	[sflag:s25] =	ssyncadd.s32 $0xFFFFC000  }
0x125: {  	_ =	swait.ge [sflag:s29], $0x80  }
0x126: {  	[sflag:s29] =	ssyncset.done $0x0  }
0x127: {  	[sflag:s29] =	ssyncadd.s32 $0xFFFFFF80  }
0x128: {  	_ =	swait.ge [sflag:s29], $0x80  }
0x129: {  	[sflag:s29] =	ssyncset.done $0x0  }
0x12a: {  	[sflag:s29] =	ssyncadd.s32 $0xFFFFFF80  }
0x12b: {  	_ =	swait.ge [sflag:s29], $0x80  }
0x12c: {  	[sflag:s29] =	ssyncset.done $0x0  }
0x12d: {  	[sflag:s29] =	ssyncadd.s32 $0xFFFFFF80  }
0x12e: {  	_ =	swait.ge [sflag:s29], $0x80  }
0x12f: {  	[sflag:s29] =	ssyncset.done $0x0  }
0x130: {  	[sflag:s29] =	ssyncadd.s32 $0xFFFFFF80  }
0x131: {  	_ =	swait.ge [sflag:s29], $0x80  }
0x132: {  	[sflag:s29] =	ssyncset.done $0x0  }
0x133: {  	[sflag:s29] =	ssyncadd.s32 $0xFFFFFF80  }
0x134: {  	_ =	swait.ge [sflag:s29], $0x80  }
0x135: {  	[sflag:s29] =	ssyncset.done $0x0  }
0x136: {  	[sflag:s29] =	ssyncadd.s32 $0xFFFFFF80  }
0x137: {  	_ =	swait.ge [sflag:s29], $0x80  }
0x138: {  	[sflag:s29] =	ssyncset.done $0x0  }
0x139: {  	[sflag:s29] =	ssyncadd.s32 $0xFFFFFF80  }
0x13a: {  	_ =	swait.ge [sflag:s29], $0x80  }
0x13b: {  	[sflag:s29] =	ssyncset.done $0x0  }
0x13c: {  	[sflag:s29] =	ssyncadd.s32 $0xFFFFFF80  }
0x13d: {  	_ =	swait.ge [sflag:s29], $0x80  }
0x13e: {  	[sflag:s29] =	ssyncset.done $0x0  }
0x13f: {  	[sflag:s29] =	ssyncadd.s32 $0xFFFFFF80  }
0x140: {  	_ =	swait.ge [sflag:s29], $0x80  }
0x141: {  	[sflag:s29] =	ssyncset.done $0x0  }
0x142: {  	[sflag:s29] =	ssyncadd.s32 $0xFFFFFF80  }
0x143: {  	_ =	swait.ge [sflag:s29], $0x80  }
0x144: {  	[sflag:s29] =	ssyncset.done $0x0  }
0x145: {  	[sflag:s29] =	ssyncadd.s32 $0xFFFFFF80  }
0x146: {  	_ =	swait.ge [sflag:s29], $0x80  }
0x147: {  	[sflag:s29] =	ssyncset.done $0x0  }
0x148: {  	[sflag:s29] =	ssyncadd.s32 $0xFFFFFF80  }
0x149: {  	_ =	swait.ge [sflag:s29], $0x80  }
0x14a: {  	[sflag:s29] =	ssyncset.done $0x0  }
0x14b: {  	[sflag:s29] =	ssyncadd.s32 $0xFFFFFF80  }
0x14c: {  	_ =	swait.ge [sflag:s29], $0x80  }
0x14d: {  	[sflag:s29] =	ssyncset.done $0x0  }
0x14e: {  	[sflag:s29] =	ssyncadd.s32 $0xFFFFFF80  }
0x14f: {  	_ =	swait.ge [sflag:s29], $0x80  }
0x150: {  	[sflag:s29] =	ssyncset.done $0x0  }
0x151: {  	[sflag:s29] =	ssyncadd.s32 $0xFFFFFF80  }
0x152: {  	_ =	swait.ge [sflag:s29], $0x80  }
0x153: {  	[sflag:s29] =	ssyncset.done $0x0  }
0x154: {  	[sflag:s29] =	ssyncadd.s32 $0xFFFFFF80  }
0x155: {  	_ =	swait.ge [sflag:s29], $0x80  }
0x156: {  	[sflag:s29] =	ssyncset.done $0x0  }
0x157: {  	[sflag:s29] =	ssyncadd.s32 $0xFFFFFF80  }
0x158: {  	_ =	swait.ge [sflag:s29], $0x80  }
0x159: {  	[sflag:s29] =	ssyncset.done $0x0  }
0x15a: {  	[sflag:s29] =	ssyncadd.s32 $0xFFFFFF80  }
0x15b: {  	_ =	swait.ge [sflag:s29], $0x80  }
.Ltmp6:
0x15c: {  	[sflag:s29] =	ssyncset.done $0x0;
	(pc) =	sbr.rel .LBB2_26-.Ltmp6, $4  }
0x15d: {  	[sflag:s29] =	ssyncadd.s32 $0xFFFFFF80  }
0x15e: {  	_ =	swait.ge [sflag:s29], $0x80  }
0x15f: {  	[sflag:s29] =	ssyncset.done $0x0  }
0x160: {  	[sflag:s29] =	ssyncadd.s32 $0xFFFFFF80  }
.LBB2_4:
0x161: {  	s28 =	sshra.s32 s2, $0x2;
	s30 =	sadd.s32 $0xFFFFFFF0, s15  }
0x162: {  	[tilespmem:s28], [sflag:$0x1] =	stream.linear.gather [hbm4b:s30+s5], $0x80, $0x38;
	[tilespmem:$0x1ED80] =	vst v63  }
0x163: {  	s28 =	sadd.s32 $0x1400, s28  }
0x164: {  	[tilespmem:s28], [sflag:$0x1] =	stream.linear.gather [hbm4b:s15+s5], $0x80, $0x38;
	[tilespmem:$0x1ED80] =	vst v63  }
0x165: {  	s2 =	sadd.s32 $0x200, s2;
	s28 =	smov.u32 s15  }
.LBB2_5:
0x166: {  	p1 =	sne.s32 s2, $0x4E00  }
.Ltmp7:
0x167: {  	s30 =	sshra.s32 s2, $0x2;
	s28 =	sadd.s32 $0x20, s28;
	(pc) =	sbr.rel @p1 .LBB2_5-.Ltmp7, $4  }
0x168: {  	s2 =	sadd.s32 $0x200, s2;
	s31 =	sadd.s32 $0xFFFFFFF0, s28  }
0x169: {  	[tilespmem:s30], [sflag:$0x1] =	stream.linear.gather [hbm4b:s31+s5], $0x80, $0x38;
	[tilespmem:$0x1ED80] =	vst v63  }
0x16a: {  	s30 =	sadd.s32 $0x1400, s30  }
0x16b: {  	[tilespmem:s30], [sflag:$0x1] =	stream.linear.gather [hbm4b:s28+s5], $0x80, $0x38;
	[tilespmem:$0x1ED80] =	vst v63  }
0x16c: {  	_ =	swait.ge [sflag:s26], $0x80  }
0x16d: {  	[sflag:s26] =	ssyncset.done $0x0  }
0x16e: {  	[sflag:s26] =	ssyncadd.s32 $0xFFFFFF80  }
0x16f: {  	_ =	swait.ge [sflag:s26], $0x80  }
0x170: {  	s2 =	simm.s32 $0x27;
	[sflag:s26] =	ssyncset.done $0x0  }
.LBB2_7:
0x171: {  	p1 =	sne.s32 s2, $0x1;
	s2 =	sadd.s32 $0xFFFFFFFF, s2;
	[sflag:s26] =	ssyncadd.s32 $0xFFFFFF80  }
.Ltmp8:
0x172: {  	_ =	swait.ge [sflag:s26], $0x80;
	(pc) =	sbr.rel @p1 .LBB2_7-.Ltmp8, $4  }
0x173: {  	[sflag:s26] =	ssyncset.done $0x0  }
0x174: {  	[sflag:s26] =	ssyncadd.s32 $0xFFFFFF80  }
0x175: {  	_ =	swait.ge [sflag:s26], $0x80  }
0x176: {  	[sflag:s26] =	ssyncset.done $0x0  }
0x177: {  	[sflag:s26] =	ssyncadd.s32 $0xFFFFFF80  }
0x178: {  	[tilespmem:s18], [sflag:$0x1] =	stream.indirect.gather [hbm4b:s0+s21], $0x80, s5, s21, $0xb8;
	[tilespmem:$0x1ED80] =	vst v63  }
0x179: {  	s2 =	simm.s32 $0x1  }
0x17a: {  	[tilespmem:s22], [sflag:$0x1] =	stream.indirect.gather [hbm4b:s0+s21], $0x80, s21, s21, $0xb8;
	[tilespmem:$0x1ED80] =	vst v63  }
0x17b: {  	_ =	swait.ge [sflag:s2], $0x4000  }
0x17c: {  	[sflag:s2] =	ssyncset.done $0x0  }
0x17d: {  	[sflag:s2] =	ssyncadd.s32 $0xFFFFC000  }
0x17e: {  	[spmem:s3] =	stream.indirect.scatter.add.f32 [tilespmem:s18], [sflag:$0x2], $0x80, s23, s21, $0xb8;
	[tilespmem:$0x1ED80] =	vst v63  }
0x17f: {  	_ = 	snop  }
0x180: {  	[spmem:s4] =	stream.indirect.scatter.add.f32 [tilespmem:s24], [sflag:$0x3], $0x1, s23, s21, $0xb8;
	[tilespmem:$0x1ED80] =	vst v63  }
0x181: {  	s7 =	simm.s32 $0x4000;
	_ =	swait.ge [sflag:s25], $0x4000  }
0x182: {  	s28 =	sand.u32 $0x4000, s7;
	[sflag:s25] =	ssyncset.done $0x0  }
0x183: {  	s8 =	simm.s32 $0x100;
	s30 =	sxor.u32 $0x6800, s28;
	[sflag:s25] =	ssyncadd.s32 $0xFFFFC000  }
0x184: {  	[tilespmem:s30], [sflag:$0x1] =	stream.indirect.gather [hbm4b:s0+s21], $0x80, s8, s21, $0xb8;
	[tilespmem:$0x1ED80] =	vst v63  }
0x185: {  	_ =	swait.ge [sflag:s26], $0x4000  }
0x186: {  	[sflag:s26] =	ssyncset.done $0x0  }
0x187: {  	s28 =	sor.u32 $0x2800, s28;
	s2 =	simm.s32 $0x1480;
	[sflag:s26] =	ssyncadd.s32 $0xFFFFC000  }
0x188: {  	[spmem:s3] =	stream.indirect.scatter.add.f32 [tilespmem:s28], [sflag:$0x2], $0x80, s2, s21, $0xb8;
	[tilespmem:$0x1ED80] =	vst v63  }
0x189: {  	s31 =	simm.s32 $0x180;
	s30 =	simm.s32 $0x1500;
	s28 =	simm.s32 $0x2  }
.LBB2_9:
0x18a: {  	[spmem:s4] =	stream.indirect.scatter.add.f32 [tilespmem:s24], [sflag:$0x3], $0x1, s2, s21, $0xb8;
	[tilespmem:$0x1ED80] =	vst v63  }
0x18b: {  	s2 =	sshll.u32 s28, $0xE;
	p1 =	sne.s32 s28, $0x26;
	_ =	swait.ge [sflag:s25], $0x4000  }
0x18c: {  	s28 =	sadd.s32 $0x1, s28;
	s7 =	sand.u32 $0x4000, s2;
	[sflag:s25] =	ssyncset.done $0x0  }
0x18d: {  	s2 =	smov.u32 s30;
	s8 =	sxor.u32 $0x6800, s7;
	[sflag:s25] =	ssyncadd.s32 $0xFFFFC000  }
0x18e: {  	[tilespmem:s8], [sflag:$0x1] =	stream.indirect.gather [hbm4b:s0+s21], $0x80, s31, s21, $0xb8;
	[tilespmem:$0x1ED80] =	vst v63  }
.Ltmp9:
0x18f: {  	_ =	swait.ge [sflag:s26], $0x4000;
	(pc) =	sbr.rel @p1 .LBB2_9-.Ltmp9, $4  }
0x190: {  	[sflag:s26] =	ssyncset.done $0x0  }
0x191: {  	s7 =	sor.u32 $0x2800, s7;
	[sflag:s26] =	ssyncadd.s32 $0xFFFFC000  }
0x192: {  	[spmem:s3] =	stream.indirect.scatter.add.f32 [tilespmem:s7], [sflag:$0x2], $0x80, s30, s21, $0xb8;
	[tilespmem:$0x1ED80] =	vst v63  }
0x193: {  	s31 =	sadd.s32 $0x80, s31;
	s30 =	sadd.s32 $0x80, s30  }
0x194: {  	[spmem:s4] =	stream.indirect.scatter.add.f32 [tilespmem:s24], [sflag:$0x3], $0x1, s2, s21, $0xb8;
	[tilespmem:$0x1ED80] =	vst v63  }
0x195: {  	_ =	swait.ge [sflag:s25], $0x4000  }
0x196: {  	[sflag:s25] =	ssyncset.done $0x0  }
0x197: {  	[sflag:s25] =	ssyncadd.s32 $0xFFFFC000  }
0x198: {  	_ =	swait.ge [sflag:s26], $0x4000  }
0x199: {  	[sflag:s26] =	ssyncset.done $0x0  }
0x19a: {  	[sflag:s26] =	ssyncadd.s32 $0xFFFFC000  }
0x19b: {  	[spmem:s3] =	stream.indirect.scatter.add.f32 [tilespmem:s22], [sflag:$0x2], $0x80, s1, s21, $0xb8;
	[tilespmem:$0x1ED80] =	vst v63  }
0x19c: {  	_ = 	snop  }
0x19d: {  	[spmem:s4] =	stream.indirect.scatter.add.f32 [tilespmem:s24], [sflag:$0x3], $0x1, s1, s21, $0xb8;
	[tilespmem:$0x1ED80] =	vst v63  }
0x19e: {  	_ =	swait.ge [sflag:s25], $0x4000  }
0x19f: {  	[sflag:s25] =	ssyncset.done $0x0  }
0x1a0: {  	s2 =	simm.s32 $0x28;
	[sflag:s25] =	ssyncadd.s32 $0xFFFFC000  }
.LBB2_11:
0x1a1: {  	p1 =	sne.s32 s2, $0x1  }
.Ltmp10:
0x1a2: {  	_ = 	snop;
	(pc) =	sbr.rel @p1 .LBB2_11-.Ltmp10, $4  }
0x1a3: {  	_ = 	snop  }
0x1a4: {  	_ =	swait.ge [sflag:s29], $0x80  }
0x1a5: {  	[sflag:s29] =	ssyncset.done $0x0  }
0x1a6: {  	s2 =	sadd.s32 $0xFFFFFFFF, s2;
	[sflag:s29] =	ssyncadd.s32 $0xFFFFFF80  }
0x1a7: {  	s2 =	simm.s32 $0x0;
	s7 =	sadd.s32 $0xFFFFFFF0, s16  }
0x1a8: {  	[tilespmem:s2], [sflag:$0x1] =	stream.linear.gather [hbm4b:s7+s5], $0x80, $0x38;
	[tilespmem:$0x1ED80] =	vst v63  }
0x1a9: {  	s31 =	simm.s32 $0x1400;
	s28 =	smov.u32 s16;
	s2 =	simm.s32 $0x200  }
0x1aa: {  	[tilespmem:s31], [sflag:$0x1] =	stream.linear.gather [hbm4b:s16+s5], $0x80, $0x38;
	[tilespmem:$0x1ED80] =	vst v63  }
.LBB2_13:
0x1ab: {  	p1 =	sne.s32 s2, $0x4E00  }
.Ltmp11:
0x1ac: {  	s7 =	sshra.s32 s2, $0x2;
	s28 =	sadd.s32 $0x20, s28;
	(pc) =	sbr.rel @p1 .LBB2_13-.Ltmp11, $4  }
0x1ad: {  	s2 =	sadd.s32 $0x200, s2;
	s8 =	sadd.s32 $0xFFFFFFF0, s28  }
0x1ae: {  	[tilespmem:s7], [sflag:$0x1] =	stream.linear.gather [hbm4b:s8+s5], $0x80, $0x38;
	[tilespmem:$0x1ED80] =	vst v63  }
0x1af: {  	s7 =	sadd.s32 $0x1400, s7  }
0x1b0: {  	[tilespmem:s7], [sflag:$0x1] =	stream.linear.gather [hbm4b:s28+s5], $0x80, $0x38;
	[tilespmem:$0x1ED80] =	vst v63  }
0x1b1: {  	_ =	swait.ge [sflag:s26], $0x80  }
0x1b2: {  	[sflag:s26] =	ssyncset.done $0x0  }
0x1b3: {  	[sflag:s26] =	ssyncadd.s32 $0xFFFFFF80  }
0x1b4: {  	_ =	swait.ge [sflag:s26], $0x80  }
0x1b5: {  	s2 =	simm.s32 $0x27;
	[sflag:s26] =	ssyncset.done $0x0  }
.LBB2_15:
0x1b6: {  	p1 =	sne.s32 s2, $0x1;
	s2 =	sadd.s32 $0xFFFFFFFF, s2;
	[sflag:s26] =	ssyncadd.s32 $0xFFFFFF80  }
.Ltmp12:
0x1b7: {  	_ =	swait.ge [sflag:s26], $0x80;
	(pc) =	sbr.rel @p1 .LBB2_15-.Ltmp12, $4  }
0x1b8: {  	[sflag:s26] =	ssyncset.done $0x0  }
0x1b9: {  	[sflag:s26] =	ssyncadd.s32 $0xFFFFFF80  }
0x1ba: {  	_ =	swait.ge [sflag:s26], $0x80  }
0x1bb: {  	[sflag:s26] =	ssyncset.done $0x0  }
0x1bc: {  	[sflag:s26] =	ssyncadd.s32 $0xFFFFFF80  }
0x1bd: {  	[tilespmem:s18], [sflag:$0x1] =	stream.indirect.gather [hbm4b:s0+s21], $0x80, s5, s21, $0xb8;
	[tilespmem:$0x1ED80] =	vst v63  }
0x1be: {  	s2 =	simm.s32 $0x1  }
0x1bf: {  	[tilespmem:s22], [sflag:$0x1] =	stream.indirect.gather [hbm4b:s0+s21], $0x80, s21, s21, $0xb8;
	[tilespmem:$0x1ED80] =	vst v63  }
0x1c0: {  	_ =	swait.ge [sflag:s2], $0x4000  }
0x1c1: {  	[sflag:s2] =	ssyncset.done $0x0  }
0x1c2: {  	[sflag:s2] =	ssyncadd.s32 $0xFFFFC000  }
0x1c3: {  	[spmem:s3] =	stream.indirect.scatter.add.f32 [tilespmem:s18], [sflag:$0x2], $0x80, s23, s21, $0xb8;
	[tilespmem:$0x1ED80] =	vst v63  }
0x1c4: {  	_ = 	snop  }
0x1c5: {  	[spmem:s4] =	stream.indirect.scatter.add.f32 [tilespmem:s24], [sflag:$0x3], $0x1, s23, s21, $0xb8;
	[tilespmem:$0x1ED80] =	vst v63  }
0x1c6: {  	s8 =	simm.s32 $0x4000;
	_ =	swait.ge [sflag:s25], $0x4000  }
0x1c7: {  	s7 =	sand.u32 $0x4000, s8;
	[sflag:s25] =	ssyncset.done $0x0  }
0x1c8: {  	s8 =	sxor.u32 $0x6800, s7;
	s2 =	simm.s32 $0x100;
	[sflag:s25] =	ssyncadd.s32 $0xFFFFC000  }
0x1c9: {  	[tilespmem:s8], [sflag:$0x1] =	stream.indirect.gather [hbm4b:s0+s21], $0x80, s2, s21, $0xb8;
	[tilespmem:$0x1ED80] =	vst v63  }
0x1ca: {  	s28 =	simm.s32 $0x2;
	_ =	swait.ge [sflag:s26], $0x4000  }
0x1cb: {  	s30 =	simm.s32 $0x1500;
	s31 =	simm.s32 $0x180;
	[sflag:s26] =	ssyncset.done $0x0  }
0x1cc: {  	s7 =	sor.u32 $0x2800, s7;
	s2 =	simm.s32 $0x1480;
	[sflag:s26] =	ssyncadd.s32 $0xFFFFC000  }
0x1cd: {  	[spmem:s3] =	stream.indirect.scatter.add.f32 [tilespmem:s7], [sflag:$0x2], $0x80, s2, s21, $0xb8;
	[tilespmem:$0x1ED80] =	vst v63  }
.LBB2_17:
0x1ce: {  	[spmem:s4] =	stream.indirect.scatter.add.f32 [tilespmem:s24], [sflag:$0x3], $0x1, s2, s21, $0xb8;
	[tilespmem:$0x1ED80] =	vst v63  }
0x1cf: {  	s2 =	sshll.u32 s28, $0xE;
	p1 =	sne.s32 s28, $0x26;
	_ =	swait.ge [sflag:s25], $0x4000  }
0x1d0: {  	s28 =	sadd.s32 $0x1, s28;
	s7 =	sand.u32 $0x4000, s2;
	[sflag:s25] =	ssyncset.done $0x0  }
0x1d1: {  	s2 =	smov.u32 s30;
	s8 =	sxor.u32 $0x6800, s7;
	[sflag:s25] =	ssyncadd.s32 $0xFFFFC000  }
0x1d2: {  	[tilespmem:s8], [sflag:$0x1] =	stream.indirect.gather [hbm4b:s0+s21], $0x80, s31, s21, $0xb8;
	[tilespmem:$0x1ED80] =	vst v63  }
.Ltmp13:
0x1d3: {  	_ =	swait.ge [sflag:s26], $0x4000;
	(pc) =	sbr.rel @p1 .LBB2_17-.Ltmp13, $4  }
0x1d4: {  	[sflag:s26] =	ssyncset.done $0x0  }
0x1d5: {  	s7 =	sor.u32 $0x2800, s7;
	[sflag:s26] =	ssyncadd.s32 $0xFFFFC000  }
0x1d6: {  	[spmem:s3] =	stream.indirect.scatter.add.f32 [tilespmem:s7], [sflag:$0x2], $0x80, s30, s21, $0xb8;
	[tilespmem:$0x1ED80] =	vst v63  }
0x1d7: {  	s31 =	sadd.s32 $0x80, s31;
	s30 =	sadd.s32 $0x80, s30  }
0x1d8: {  	[spmem:s4] =	stream.indirect.scatter.add.f32 [tilespmem:s24], [sflag:$0x3], $0x1, s2, s21, $0xb8;
	[tilespmem:$0x1ED80] =	vst v63  }
0x1d9: {  	_ =	swait.ge [sflag:s25], $0x4000  }
0x1da: {  	[sflag:s25] =	ssyncset.done $0x0  }
0x1db: {  	[sflag:s25] =	ssyncadd.s32 $0xFFFFC000  }
0x1dc: {  	_ =	swait.ge [sflag:s26], $0x4000  }
0x1dd: {  	[sflag:s26] =	ssyncset.done $0x0  }
0x1de: {  	[sflag:s26] =	ssyncadd.s32 $0xFFFFC000  }
0x1df: {  	[spmem:s3] =	stream.indirect.scatter.add.f32 [tilespmem:s22], [sflag:$0x2], $0x80, s1, s21, $0xb8;
	[tilespmem:$0x1ED80] =	vst v63  }
0x1e0: {  	_ = 	snop  }
0x1e1: {  	[spmem:s4] =	stream.indirect.scatter.add.f32 [tilespmem:s24], [sflag:$0x3], $0x1, s1, s21, $0xb8;
	[tilespmem:$0x1ED80] =	vst v63  }
0x1e2: {  	_ =	swait.ge [sflag:s25], $0x4000  }
0x1e3: {  	[sflag:s25] =	ssyncset.done $0x0  }
0x1e4: {  	[sflag:s25] =	ssyncadd.s32 $0xFFFFC000  }
0x1e5: {  	_ =	swait.ge [sflag:s29], $0x80  }
0x1e6: {  	s2 =	simm.s32 $0x27;
	[sflag:s29] =	ssyncset.done $0x0  }
.LBB2_19:
0x1e7: {  	p1 =	seq.s32 s2, $0x1;
	s2 =	sadd.s32 $0xFFFFFFFF, s2;
	[sflag:s29] =	ssyncadd.s32 $0xFFFFFF80  }
.Ltmp14:
0x1e8: {  	(pc) =	sbr.rel @!p1 .LBB2_19-.Ltmp14, $3  }
0x1e9: {  	_ =	sdelay $0x1  }
0x1ea: {  	_ =	swait.ge [sflag:s29], $0x80  }
0x1eb: {  	[sflag:s29] =	ssyncset.done $0x0  }
.Ltmp15:
0x1ec: {  	_ = 	snop;
	(pc) =	sbr.rel .LBB2_20-.Ltmp15, $1  }
0x1ed: {  	_ =	sdelay $0x3  }
.LBB2_27:
0x1ee: {  	_ =	sfence.sel $0x180000  }
0x1ef: {  	[bflag:$0x0] =	sbarrier.arrive $0xFFFF  }
0x1f0: {  	_ =	strace $0x90000047  }
0x1f1: {  	s0 =	stileid.u32;
	[bflag:$0x2] =	sbarrier.arrive $0xFFFF  }
0x1f2: {  	p0 =	sne.s32 s0, $0x0;
	s0 =	rddreg [dreg:$0x6]  }
0x1f3: {  	s0 =	sadd.s32 @!p0 $0x100000, s0  }
0x1f4: {  	[sflag:s0] =	ssyncadd.tile.s32 @!p0 $0x1;
	_ =	shalt  }
.Lfunc_end2:
_tile_overlayer_lowered:
.L_overlay_start_2:
0x1f5: {  	(tag) =	ssettag $0x2  }
0x1f6: {  	s0 =	rddreg [dreg:$0x0];
	s2 =	stileid.u32  }
0x1f7: {  	s1 =	rddreg [dreg:$0x1];
	p0 =	sne.s32 s2, $0x0  }
0x1f8: {  	s3 =	rddreg [dreg:$0x2];
	[bflag:$0x3] =	sbarrier.arrive $0xFFFF;
	s2 =	simm.s32 @!p0 $0x1C04  }
0x1f9: {  	[timem:s3], [sflag:s2] =	dma.local @!p0 [hbm:s0], s1  }
0x1fa: {  	s0 =	simm.s32 @!p0 $0x4  }
0x1fb: {  	_ =	swait.ge @!p0 [sflag:s0], s1  }
0x1fc: {  	s1 =	ssub.s32 @!p0 $0x0, s1;
	[sflag:s0] =	ssyncset.done @!p0 $0x0  }
0x1fd: {  	[sflag:s0] =	ssyncadd.s32 @!p0 s1  }
0x1fe: {  	[bflag:$0x3] =	sbarrier.arrive $0xFFFF  }
0x1ff: {  	_ =	shalt  }

</sc_bundles>
